<compile_context>
chip_gen: v7x
topology: tpu7x:2x2x1
jax: 0.10.2.dev20260603
libtpu: 0.0.44.dev20260713+nightly
codegen_flags: <defaults>
</compile_context>

<pallas_src>
import functools

import jax
import jax.numpy as jnp
from jax import lax
from jax.experimental import pallas as pl
from jax.experimental.pallas import tpu as pltpu
from jax.experimental.pallas import tpu_sc as plsc

N = 10000
D = 128
E = 320000
NC = 2
NS = 16
NW = NC * NS
EPW = E // NW
K = 80
NCHUNK = EPW // K
RPT = 624
TAIL = N - NS * RPT


def _make_sc_aggregate():
    mesh = plsc.VectorSubcoreMesh(core_axis_name="c", subcore_axis_name="s")

    @functools.partial(
        pl.kernel,
        out_type=jax.ShapeDtypeStruct((NC, N, D), jnp.float32),
        mesh=mesh,
        scratch_types=[
            pltpu.VMEM_SHARED((N, D), jnp.float32),
            pltpu.VMEM((EPW,), jnp.int32),
            pltpu.VMEM((NCHUNK, K), jnp.int32),
            pltpu.VMEM((K, D), jnp.float32),
            pltpu.VMEM((K, D), jnp.float32),
            pltpu.SemaphoreType.DMA,
            pltpu.SemaphoreType.DMA,
        ],
    )
    def agg(h_hbm, src_hbm, dst_hbm, out_hbm, acc, sidx, didx,
            r0buf, r1buf, gsem0, gsem1):
        c = lax.axis_index("c")
        s = lax.axis_index("s")
        wid = s * NC + c
        pltpu.sync_copy(src_hbm.at[pl.ds(wid * EPW, EPW)], sidx)
        pltpu.sync_copy(dst_hbm.at[wid], didx)
        pltpu.async_copy(h_hbm.at[sidx.at[pl.ds(0, K)]], r0buf, gsem0)
        r0 = s * RPT
        pltpu.sync_copy(h_hbm.at[pl.ds(r0, RPT)], acc.at[pl.ds(r0, RPT)])

        @pl.when(s == 0)
        def _():
            pltpu.sync_copy(h_hbm.at[pl.ds(NS * RPT, TAIL)],
                            acc.at[pl.ds(NS * RPT, TAIL)])

        plsc.subcore_barrier()

        def gather(g, buf, sem):
            pltpu.async_copy(h_hbm.at[sidx.at[pl.ds(g * K, K)]], buf, sem)

        def drain(buf, sem):
            pltpu.make_async_copy(h_hbm.at[pl.ds(0, K)], buf, sem).wait()

        def scatter(g, buf):
            pltpu.sync_copy(buf, acc.at[didx.at[g]], add=True)

        def body(j, carry):
            a = 2 * j
            gather(a + 1, r1buf, gsem1)
            drain(r0buf, gsem0)
            scatter(a, r0buf)
            gather(a + 2, r0buf, gsem0)
            drain(r1buf, gsem1)
            scatter(a + 1, r1buf)
            return carry

        lax.fori_loop(0, (NCHUNK - 1) // 2, body, 0)
        drain(r0buf, gsem0)
        scatter(NCHUNK - 1, r0buf)

        plsc.subcore_barrier()
        pltpu.sync_copy(acc.at[pl.ds(r0, RPT)], out_hbm.at[c, pl.ds(r0, RPT)])

        @pl.when(s == 0)
        def _():
            pltpu.sync_copy(acc.at[pl.ds(NS * RPT, TAIL)],
                            out_hbm.at[c, pl.ds(NS * RPT, TAIL)])

    return agg


_sc_aggregate = _make_sc_aggregate()


def _mlp_body(p_ref, h_ref, w1_ref, b1_ref, w2_ref, b2_ref, o_ref):
    z = p_ref[0] + p_ref[1] - h_ref[...]
    z = jnp.dot(z, w1_ref[...], preferred_element_type=jnp.float32)
    z = jnp.maximum(z + b1_ref[...], 0.0)
    z = jnp.dot(z, w2_ref[...], preferred_element_type=jnp.float32)
    o_ref[...] = jnp.maximum(z + b2_ref[...], 0.0)


_BLK = 2000


def _tc_mlp(p, h, W1, b1, W2, b2):
    grid = (N // _BLK,)
    row_spec = pl.BlockSpec((_BLK, D), lambda i: (i, 0))
    p_spec = pl.BlockSpec((NC, _BLK, D), lambda i: (0, i, 0))
    full_w = pl.BlockSpec((D, D), lambda i: (0, 0))
    full_b = pl.BlockSpec((1, D), lambda i: (0, 0))
    return pl.pallas_call(
        _mlp_body,
        grid=grid,
        in_specs=[p_spec, row_spec, full_w, full_b, full_w, full_b],
        out_specs=row_spec,
        out_shape=jax.ShapeDtypeStruct((N, D), jnp.float32),
    )(p, h, W1, b1.reshape(1, D), W2, b2.reshape(1, D))


def kernel(x, edge_index, W1_0, b1_0, W2_0, b2_0, W1_1, b1_1, W2_1, b2_1):
    src = edge_index[0]
    dst = edge_index[1].reshape(NW, NCHUNK, K)
    p = _sc_aggregate(x, src, dst)
    h1 = _tc_mlp(p, x, W1_0, b1_0, W2_0, b2_0)
    p2 = _sc_aggregate(h1, src, dst)
    return _tc_mlp(p2, h1, W1_1, b1_1, W2_1, b2_1)

# --- scband reference (transcript-rebuilt; emitter-appended) ---
"""Pipeline reference for scband-gin-23828478558294 (READ-ONLY COPY).

The authoritative reference and input builder live on the scoring server;
editing this copy changes nothing except your own understanding.
"""

import jax, jax.numpy as jnp
import numpy as np

N = 10000
E = 320000
D = 128
H = 128


def setup_inputs(seed: int = 0) -> dict:
    key = jax.random.key(seed)
    ks = jax.random.split(key, 12)
    x = jax.random.normal(ks[0], (N, D), dtype=jnp.float32)
    edge_index = jax.random.randint(ks[1], (2, E), 0, N, dtype=jnp.int32)
    s_in = 1.0 / np.sqrt(D)
    s_h = 1.0 / np.sqrt(H)
    W1_0 = jax.random.normal(ks[2], (D, H), dtype=jnp.float32) * s_in
    b1_0 = jnp.zeros((H,), dtype=jnp.float32)
    W2_0 = jax.random.normal(ks[3], (H, H), dtype=jnp.float32) * s_h
    b2_0 = jnp.zeros((H,), dtype=jnp.float32)
    W1_1 = jax.random.normal(ks[4], (H, H), dtype=jnp.float32) * s_h
    b1_1 = jnp.zeros((H,), dtype=jnp.float32)
    W2_1 = jax.random.normal(ks[5], (H, H), dtype=jnp.float32) * s_h
    b2_1 = jnp.zeros((H,), dtype=jnp.float32)
    return {
        "x": x,
        "edge_index": edge_index,
        "W1_0": W1_0, "b1_0": b1_0, "W2_0": W2_0, "b2_0": b2_0,
        "W1_1": W1_1, "b1_1": b1_1, "W2_1": W2_1, "b2_1": b2_1,
    }


def _gin_conv(x, edge_index, W1, b1, W2, b2, eps=0.0):
    # GINConv: nn((1+eps)*x + sum_{j in N(i)} x_j), sum aggregation over dst
    src = edge_index[0]
    dst = edge_index[1]
    msgs = jnp.take(x, src, axis=0)
    aggr = jax.ops.segment_sum(msgs, dst, num_segments=x.shape[0])
    h = (1.0 + eps) * x + aggr
    h = jnp.maximum(jnp.dot(h, W1) + b1, 0.0)
    h = jnp.dot(h, W2) + b2
    return h


def reference(x, edge_index, W1_0, b1_0, W2_0, b2_0, W1_1, b1_1, W2_1, b2_1):
    h = _gin_conv(x, edge_index, W1_0, b1_0, W2_0, b2_0)
    h = jnp.maximum(h, 0.0)  # F.relu after conv 0; dropout disabled
    h = _gin_conv(h, edge_index, W1_1, b1_1, W2_1, b2_1)
    h = jnp.maximum(h, 0.0)  # F.relu after conv 1
    return h

if __name__ == "__main__":
    import jax
    _d = setup_inputs()
    print(jax.jit(kernel)(*tuple(_d.values())))

</pallas_src>

<mosaic_0001>
#map = affine_map<(d0, d1) -> (0, 0)>
#map1 = affine_map<(d0, d1) -> (0)>
#map2 = affine_map<(d0, d1) -> (0, 0, 0)>
module attributes {stable_mosaic.version = 14 : i64} {
  func.func @agg(%arg0: i32, %arg1: i32, %arg2: memref<10000x128xf32, #tpu.memory_space<hbm>>, %arg3: memref<320000xi32, #tpu.memory_space<hbm>>, %arg4: memref<32x125x80xi32, #tpu.memory_space<hbm>>, %arg5: memref<2x10000x128xf32, #tpu.memory_space<hbm>>, %arg6: memref<10000x128xf32, #tpu.memory_space<vmem_shared>>, %arg7: memref<10000xi32, #tpu.memory_space<vmem>>, %arg8: memref<125x80xi32, #tpu.memory_space<vmem>>, %arg9: memref<80x128xf32, #tpu.memory_space<vmem>>, %arg10: memref<80x128xf32, #tpu.memory_space<vmem>>, %arg11: memref<!tpu.dma_semaphore, #tpu.memory_space<semaphore_mem>>, %arg12: memref<!tpu.dma_semaphore, #tpu.memory_space<semaphore_mem>>) attributes {dimension_semantics = [#tpu.dimension_semantics<core_parallel>, #tpu.dimension_semantics<subcore_parallel>], iteration_bounds = array<i64: 2, 16>, scalar_prefetch = 0 : i64, scratch_operands = 7 : i64, tpu.core_type = #tpu.core_type<sc_vector_subcore>, window_params = [{transform_indices = #map}, {transform_indices = #map1}, {transform_indices = #map2}, {transform_indices = #map2}]} {
    %mul3A = arith.constant 2 : i32
    %mul3A_0 = arith.muli %arg1, %mul3A : i32
    %add3A = arith.addi %mul3A_0, %arg0 : i32
    %mul3A_1 = arith.constant 10000 : i32
    %mul3A_2 = arith.muli %add3A, %mul3A_1 : i32
    "tpu.region"() ({
      %run_scoped3A_27 = tpu.sem_alloc : memref<!tpu.dma_semaphore, #tpu.memory_space<semaphore_mem>>
      %dma_start3A_28 = tpu.memref_slice %arg3[%mul3A_2] : memref<320000xi32, #tpu.memory_space<hbm>> -> memref<10000xi32, #tpu.memory_space<hbm>>
      %dma_start3A_29 = tpu.memref_slice %arg3[%mul3A_2] : memref<320000xi32, #tpu.memory_space<hbm>> -> memref<10000xi32, #tpu.memory_space<hbm>>
      tpu.enqueue_dma source(%dma_start3A_29 : memref<10000xi32, #tpu.memory_space<hbm>>) target(%arg7 : memref<10000xi32, #tpu.memory_space<vmem>>) target_semaphore(%run_scoped3A_27 : memref<!tpu.dma_semaphore, #tpu.memory_space<semaphore_mem>>)
      %dma_wait3A_30 = tpu.memref_slice %arg3[%mul3A_2] : memref<320000xi32, #tpu.memory_space<hbm>> -> memref<10000xi32, #tpu.memory_space<hbm>>
      %dma_wait3A_31 = tpu.memref_slice %arg3[%mul3A_2] : memref<320000xi32, #tpu.memory_space<hbm>> -> memref<10000xi32, #tpu.memory_space<hbm>>
      tpu.wait_dma2 semaphore(%run_scoped3A_27 : memref<!tpu.dma_semaphore, #tpu.memory_space<semaphore_mem>>) src(%dma_wait3A_31 : memref<10000xi32, #tpu.memory_space<hbm>>) dst(%arg7 : memref<10000xi32, #tpu.memory_space<vmem>>)
      tpu.yield
    }) : () -> ()
    "tpu.region"() ({
      %run_scoped3A_27 = tpu.sem_alloc : memref<!tpu.dma_semaphore, #tpu.memory_space<semaphore_mem>>
      %dma_start3A_28 = arith.constant 0 : i32
      %dma_start3A_29 = arith.constant 0 : i32
      %dma_start3A_30 = tpu.memref_slice %arg4[%add3A, %dma_start3A_28, %dma_start3A_29] : memref<32x125x80xi32, #tpu.memory_space<hbm>> -> memref<1x125x80xi32, #tpu.memory_space<hbm>>
      %dma_start3A_31 = tpu.memref_squeeze %dma_start3A_30 : memref<1x125x80xi32, #tpu.memory_space<hbm>> -> memref<125x80xi32, #tpu.memory_space<hbm>>
      %dma_start3A_32 = arith.constant 0 : i32
      %dma_start3A_33 = arith.constant 0 : i32
      %dma_start3A_34 = tpu.memref_slice %arg4[%add3A, %dma_start3A_32, %dma_start3A_33] : memref<32x125x80xi32, #tpu.memory_space<hbm>> -> memref<1x125x80xi32, #tpu.memory_space<hbm>>
      %dma_start3A_35 = tpu.memref_squeeze %dma_start3A_34 : memref<1x125x80xi32, #tpu.memory_space<hbm>> -> memref<125x80xi32, #tpu.memory_space<hbm>>
      tpu.enqueue_dma source(%dma_start3A_35 : memref<125x80xi32, #tpu.memory_space<hbm>>) target(%arg8 : memref<125x80xi32, #tpu.memory_space<vmem>>) target_semaphore(%run_scoped3A_27 : memref<!tpu.dma_semaphore, #tpu.memory_space<semaphore_mem>>)
      %dma_wait3A_36 = arith.constant 0 : i32
      %dma_wait3A_37 = arith.constant 0 : i32
      %dma_wait3A_38 = tpu.memref_slice %arg4[%add3A, %dma_wait3A_36, %dma_wait3A_37] : memref<32x125x80xi32, #tpu.memory_space<hbm>> -> memref<1x125x80xi32, #tpu.memory_space<hbm>>
      %dma_wait3A_39 = tpu.memref_squeeze %dma_wait3A_38 : memref<1x125x80xi32, #tpu.memory_space<hbm>> -> memref<125x80xi32, #tpu.memory_space<hbm>>
      %dma_wait3A_40 = arith.constant 0 : i32
      %dma_wait3A_41 = arith.constant 0 : i32
      %dma_wait3A_42 = tpu.memref_slice %arg4[%add3A, %dma_wait3A_40, %dma_wait3A_41] : memref<32x125x80xi32, #tpu.memory_space<hbm>> -> memref<1x125x80xi32, #tpu.memory_space<hbm>>
      %dma_wait3A_43 = tpu.memref_squeeze %dma_wait3A_42 : memref<1x125x80xi32, #tpu.memory_space<hbm>> -> memref<125x80xi32, #tpu.memory_space<hbm>>
      tpu.wait_dma2 semaphore(%run_scoped3A_27 : memref<!tpu.dma_semaphore, #tpu.memory_space<semaphore_mem>>) src(%dma_wait3A_43 : memref<125x80xi32, #tpu.memory_space<hbm>>) dst(%arg8 : memref<125x80xi32, #tpu.memory_space<vmem>>)
      tpu.yield
    }) : () -> ()
    %dma_start3A = arith.constant 0 : i32
    %dma_start3A_3 = tpu.memref_slice %arg7[%dma_start3A] : memref<10000xi32, #tpu.memory_space<vmem>> -> memref<80xi32, #tpu.memory_space<vmem>>
    %dma_start3A_4 = arith.constant 0 : i32
    %dma_start3A_5 = arith.constant 0 : i32
    %dma_start3A_6 = tpu.memref_slice %arg2[%dma_start3A_4, %dma_start3A_5] : memref<10000x128xf32, #tpu.memory_space<hbm>> -> memref<10000x128xf32, #tpu.memory_space<hbm>>
    tpu.enqueue_indirect_dma source(%dma_start3A_6 : memref<10000x128xf32, #tpu.memory_space<hbm>>) target(%arg9 : memref<80x128xf32, #tpu.memory_space<vmem>>) offsets(%dma_start3A_3 : memref<80xi32, #tpu.memory_space<vmem>>) semaphore(%arg11 : memref<!tpu.dma_semaphore, #tpu.memory_space<semaphore_mem>>)
    %mul3A_7 = arith.constant 624 : i32
    %mul3A_8 = arith.muli %arg1, %mul3A_7 : i32
    "tpu.region"() ({
      %run_scoped3A_27 = tpu.sem_alloc : memref<!tpu.dma_semaphore, #tpu.memory_space<semaphore_mem>>
      %dma_start3A_28 = arith.constant 0 : i32
      %dma_start3A_29 = tpu.memref_slice %arg6[%mul3A_8, %dma_start3A_28] : memref<10000x128xf32, #tpu.memory_space<vmem_shared>> -> memref<624x128xf32, #tpu.memory_space<vmem_shared>>
      %dma_start3A_30 = arith.constant 0 : i32
      %dma_start3A_31 = tpu.memref_slice %arg2[%mul3A_8, %dma_start3A_30] : memref<10000x128xf32, #tpu.memory_space<hbm>> -> memref<624x128xf32, #tpu.memory_space<hbm>>
      tpu.enqueue_dma source(%dma_start3A_31 : memref<624x128xf32, #tpu.memory_space<hbm>>) target(%dma_start3A_29 : memref<624x128xf32, #tpu.memory_space<vmem_shared>>) target_semaphore(%run_scoped3A_27 : memref<!tpu.dma_semaphore, #tpu.memory_space<semaphore_mem>>)
      %dma_wait3A_32 = arith.constant 0 : i32
      %dma_wait3A_33 = tpu.memref_slice %arg6[%mul3A_8, %dma_wait3A_32] : memref<10000x128xf32, #tpu.memory_space<vmem_shared>> -> memref<624x128xf32, #tpu.memory_space<vmem_shared>>
      %dma_wait3A_34 = arith.constant 0 : i32
      %dma_wait3A_35 = tpu.memref_slice %arg2[%mul3A_8, %dma_wait3A_34] : memref<10000x128xf32, #tpu.memory_space<hbm>> -> memref<624x128xf32, #tpu.memory_space<hbm>>
      tpu.wait_dma2 semaphore(%run_scoped3A_27 : memref<!tpu.dma_semaphore, #tpu.memory_space<semaphore_mem>>) src(%dma_wait3A_35 : memref<624x128xf32, #tpu.memory_space<hbm>>) dst(%dma_wait3A_33 : memref<624x128xf32, #tpu.memory_space<vmem_shared>>)
      tpu.yield
    }) : () -> ()
    %eq3A = arith.constant 0 : i32
    %eq3A_9 = arith.cmpi eq, %arg1, %eq3A : i32
    %convert_element_type3A = arith.extui %eq3A_9 : i1 to i32
    %cond3A = arith.constant 0 : i32
    %cond3A_10 = arith.cmpi ne, %convert_element_type3A, %cond3A : i32
    scf.if %cond3A_10 {
      "tpu.region"() ({
        %run_scoped3A_27 = tpu.sem_alloc : memref<!tpu.dma_semaphore, #tpu.memory_space<semaphore_mem>>
        %dma_start3A_28 = arith.constant 9984 : i32
        %dma_start3A_29 = arith.constant 0 : i32
        %dma_start3A_30 = tpu.memref_slice %arg6[%dma_start3A_28, %dma_start3A_29] : memref<10000x128xf32, #tpu.memory_space<vmem_shared>> -> memref<16x128xf32, #tpu.memory_space<vmem_shared>>
        %dma_start3A_31 = arith.constant 9984 : i32
        %dma_start3A_32 = arith.constant 0 : i32
        %dma_start3A_33 = tpu.memref_slice %arg2[%dma_start3A_31, %dma_start3A_32] : memref<10000x128xf32, #tpu.memory_space<hbm>> -> memref<16x128xf32, #tpu.memory_space<hbm>>
        tpu.enqueue_dma source(%dma_start3A_33 : memref<16x128xf32, #tpu.memory_space<hbm>>) target(%dma_start3A_30 : memref<16x128xf32, #tpu.memory_space<vmem_shared>>) target_semaphore(%run_scoped3A_27 : memref<!tpu.dma_semaphore, #tpu.memory_space<semaphore_mem>>)
        %dma_wait3A_34 = arith.constant 9984 : i32
        %dma_wait3A_35 = arith.constant 0 : i32
        %dma_wait3A_36 = tpu.memref_slice %arg6[%dma_wait3A_34, %dma_wait3A_35] : memref<10000x128xf32, #tpu.memory_space<vmem_shared>> -> memref<16x128xf32, #tpu.memory_space<vmem_shared>>
        %dma_wait3A_37 = arith.constant 9984 : i32
        %dma_wait3A_38 = arith.constant 0 : i32
        %dma_wait3A_39 = tpu.memref_slice %arg2[%dma_wait3A_37, %dma_wait3A_38] : memref<10000x128xf32, #tpu.memory_space<hbm>> -> memref<16x128xf32, #tpu.memory_space<hbm>>
        tpu.wait_dma2 semaphore(%run_scoped3A_27 : memref<!tpu.dma_semaphore, #tpu.memory_space<semaphore_mem>>) src(%dma_wait3A_39 : memref<16x128xf32, #tpu.memory_space<hbm>>) dst(%dma_wait3A_36 : memref<16x128xf32, #tpu.memory_space<vmem_shared>>)
        tpu.yield
      }) : () -> ()
    } else {
    }
    %barrier3A = arith.constant 0 : index
    tpu.barrier barrier_id(%barrier3A)
    %scan3A = arith.constant 0 : i32
    %scan3A_11 = arith.constant 0 : i32
    %scan3A_12 = arith.constant 62 : i32
    %scan3A_13 = arith.addi %scan3A_11, %scan3A_12 : i32
    %scan3A_14 = arith.constant 1 : i32
    scf.for %scan3A_27 = %scan3A_11 to %scan3A_13 step %scan3A_14  : i32 {
      %mul3A_28 = arith.constant 2 : i32
      %mul3A_29 = arith.muli %mul3A_28, %scan3A_27 : i32
      %add3A_30 = arith.constant 1 : i32
      %add3A_31 = arith.addi %mul3A_29, %add3A_30 : i32
      %mul3A_32 = arith.constant 80 : i32
      %mul3A_33 = arith.muli %add3A_31, %mul3A_32 : i32
      %dma_start3A_34 = tpu.memref_slice %arg7[%mul3A_33] : memref<10000xi32, #tpu.memory_space<vmem>> -> memref<80xi32, #tpu.memory_space<vmem>>
      %dma_start3A_35 = arith.constant 0 : i32
      %dma_start3A_36 = arith.constant 0 : i32
      %dma_start3A_37 = tpu.memref_slice %arg2[%dma_start3A_35, %dma_start3A_36] : memref<10000x128xf32, #tpu.memory_space<hbm>> -> memref<10000x128xf32, #tpu.memory_space<hbm>>
      tpu.enqueue_indirect_dma source(%dma_start3A_37 : memref<10000x128xf32, #tpu.memory_space<hbm>>) target(%arg10 : memref<80x128xf32, #tpu.memory_space<vmem>>) offsets(%dma_start3A_34 : memref<80xi32, #tpu.memory_space<vmem>>) semaphore(%arg12 : memref<!tpu.dma_semaphore, #tpu.memory_space<semaphore_mem>>)
      %dma_wait3A_38 = arith.constant 0 : i32
      %dma_wait3A_39 = arith.constant 0 : i32
      %dma_wait3A_40 = tpu.memref_slice %arg2[%dma_wait3A_38, %dma_wait3A_39] : memref<10000x128xf32, #tpu.memory_space<hbm>> -> memref<80x128xf32, #tpu.memory_space<hbm>>
      %dma_wait3A_41 = arith.constant 0 : i32
      %dma_wait3A_42 = arith.constant 0 : i32
      %dma_wait3A_43 = tpu.memref_slice %arg2[%dma_wait3A_41, %dma_wait3A_42] : memref<10000x128xf32, #tpu.memory_space<hbm>> -> memref<80x128xf32, #tpu.memory_space<hbm>>
      tpu.wait_dma2 semaphore(%arg11 : memref<!tpu.dma_semaphore, #tpu.memory_space<semaphore_mem>>) src(%dma_wait3A_43 : memref<80x128xf32, #tpu.memory_space<hbm>>) dst(%arg9 : memref<80x128xf32, #tpu.memory_space<vmem>>)
      "tpu.region"() ({
        %run_scoped3A_60 = tpu.sem_alloc : memref<!tpu.dma_semaphore, #tpu.memory_space<semaphore_mem>>
        %dma_start3A_61 = arith.constant 0 : i32
        %dma_start3A_62 = tpu.memref_slice %arg8[%mul3A_29, %dma_start3A_61] : memref<125x80xi32, #tpu.memory_space<vmem>> -> memref<1x80xi32, #tpu.memory_space<vmem>>
        %dma_start3A_63 = tpu.memref_squeeze %dma_start3A_62 : memref<1x80xi32, #tpu.memory_space<vmem>> -> memref<80xi32, #tpu.memory_space<vmem>>
        %dma_start3A_64 = arith.constant 0 : i32
        %dma_start3A_65 = arith.constant 0 : i32
        %dma_start3A_66 = tpu.memref_slice %arg6[%dma_start3A_64, %dma_start3A_65] : memref<10000x128xf32, #tpu.memory_space<vmem_shared>> -> memref<10000x128xf32, #tpu.memory_space<vmem_shared>>
        tpu.enqueue_indirect_dma source(%arg9 : memref<80x128xf32, #tpu.memory_space<vmem>>) target(%dma_start3A_66 : memref<10000x128xf32, #tpu.memory_space<vmem_shared>>) offsets(%dma_start3A_63 : memref<80xi32, #tpu.memory_space<vmem>>) semaphore(%run_scoped3A_60 : memref<!tpu.dma_semaphore, #tpu.memory_space<semaphore_mem>>) {add = true}
        %dma_wait3A_67 = arith.constant 0 : i32
        %dma_wait3A_68 = tpu.memref_slice %arg8[%mul3A_29, %dma_wait3A_67] : memref<125x80xi32, #tpu.memory_space<vmem>> -> memref<1x80xi32, #tpu.memory_space<vmem>>
        %dma_wait3A_69 = tpu.memref_squeeze %dma_wait3A_68 : memref<1x80xi32, #tpu.memory_space<vmem>> -> memref<80xi32, #tpu.memory_space<vmem>>
        %dma_wait3A_70 = arith.constant 0 : i32
        %dma_wait3A_71 = arith.constant 0 : i32
        %dma_wait3A_72 = tpu.memref_slice %arg6[%dma_wait3A_70, %dma_wait3A_71] : memref<10000x128xf32, #tpu.memory_space<vmem_shared>> -> memref<10000x128xf32, #tpu.memory_space<vmem_shared>>
        tpu.wait_indirect_dma semaphore(%run_scoped3A_60 : memref<!tpu.dma_semaphore, #tpu.memory_space<semaphore_mem>>) src(%arg9 : memref<80x128xf32, #tpu.memory_space<vmem>>) dst(%dma_wait3A_72 : memref<10000x128xf32, #tpu.memory_space<vmem_shared>>)
        tpu.yield
      }) : () -> ()
      %add3A_44 = arith.constant 2 : i32
      %add3A_45 = arith.addi %mul3A_29, %add3A_44 : i32
      %mul3A_46 = arith.constant 80 : i32
      %mul3A_47 = arith.muli %add3A_45, %mul3A_46 : i32
      %dma_start3A_48 = tpu.memref_slice %arg7[%mul3A_47] : memref<10000xi32, #tpu.memory_space<vmem>> -> memref<80xi32, #tpu.memory_space<vmem>>
      %dma_start3A_49 = arith.constant 0 : i32
      %dma_start3A_50 = arith.constant 0 : i32
      %dma_start3A_51 = tpu.memref_slice %arg2[%dma_start3A_49, %dma_start3A_50] : memref<10000x128xf32, #tpu.memory_space<hbm>> -> memref<10000x128xf32, #tpu.memory_space<hbm>>
      tpu.enqueue_indirect_dma source(%dma_start3A_51 : memref<10000x128xf32, #tpu.memory_space<hbm>>) target(%arg9 : memref<80x128xf32, #tpu.memory_space<vmem>>) offsets(%dma_start3A_48 : memref<80xi32, #tpu.memory_space<vmem>>) semaphore(%arg11 : memref<!tpu.dma_semaphore, #tpu.memory_space<semaphore_mem>>)
      %dma_wait3A_52 = arith.constant 0 : i32
      %dma_wait3A_53 = arith.constant 0 : i32
      %dma_wait3A_54 = tpu.memref_slice %arg2[%dma_wait3A_52, %dma_wait3A_53] : memref<10000x128xf32, #tpu.memory_space<hbm>> -> memref<80x128xf32, #tpu.memory_space<hbm>>
      %dma_wait3A_55 = arith.constant 0 : i32
      %dma_wait3A_56 = arith.constant 0 : i32
      %dma_wait3A_57 = tpu.memref_slice %arg2[%dma_wait3A_55, %dma_wait3A_56] : memref<10000x128xf32, #tpu.memory_space<hbm>> -> memref<80x128xf32, #tpu.memory_space<hbm>>
      tpu.wait_dma2 semaphore(%arg12 : memref<!tpu.dma_semaphore, #tpu.memory_space<semaphore_mem>>) src(%dma_wait3A_57 : memref<80x128xf32, #tpu.memory_space<hbm>>) dst(%arg10 : memref<80x128xf32, #tpu.memory_space<vmem>>)
      %add3A_58 = arith.constant 1 : i32
      %add3A_59 = arith.addi %mul3A_29, %add3A_58 : i32
      "tpu.region"() ({
        %run_scoped3A_60 = tpu.sem_alloc : memref<!tpu.dma_semaphore, #tpu.memory_space<semaphore_mem>>
        %dma_start3A_61 = arith.constant 0 : i32
        %dma_start3A_62 = tpu.memref_slice %arg8[%add3A_59, %dma_start3A_61] : memref<125x80xi32, #tpu.memory_space<vmem>> -> memref<1x80xi32, #tpu.memory_space<vmem>>
        %dma_start3A_63 = tpu.memref_squeeze %dma_start3A_62 : memref<1x80xi32, #tpu.memory_space<vmem>> -> memref<80xi32, #tpu.memory_space<vmem>>
        %dma_start3A_64 = arith.constant 0 : i32
        %dma_start3A_65 = arith.constant 0 : i32
        %dma_start3A_66 = tpu.memref_slice %arg6[%dma_start3A_64, %dma_start3A_65] : memref<10000x128xf32, #tpu.memory_space<vmem_shared>> -> memref<10000x128xf32, #tpu.memory_space<vmem_shared>>
        tpu.enqueue_indirect_dma source(%arg10 : memref<80x128xf32, #tpu.memory_space<vmem>>) target(%dma_start3A_66 : memref<10000x128xf32, #tpu.memory_space<vmem_shared>>) offsets(%dma_start3A_63 : memref<80xi32, #tpu.memory_space<vmem>>) semaphore(%run_scoped3A_60 : memref<!tpu.dma_semaphore, #tpu.memory_space<semaphore_mem>>) {add = true}
        %dma_wait3A_67 = arith.constant 0 : i32
        %dma_wait3A_68 = tpu.memref_slice %arg8[%add3A_59, %dma_wait3A_67] : memref<125x80xi32, #tpu.memory_space<vmem>> -> memref<1x80xi32, #tpu.memory_space<vmem>>
        %dma_wait3A_69 = tpu.memref_squeeze %dma_wait3A_68 : memref<1x80xi32, #tpu.memory_space<vmem>> -> memref<80xi32, #tpu.memory_space<vmem>>
        %dma_wait3A_70 = arith.constant 0 : i32
        %dma_wait3A_71 = arith.constant 0 : i32
        %dma_wait3A_72 = tpu.memref_slice %arg6[%dma_wait3A_70, %dma_wait3A_71] : memref<10000x128xf32, #tpu.memory_space<vmem_shared>> -> memref<10000x128xf32, #tpu.memory_space<vmem_shared>>
        tpu.wait_indirect_dma semaphore(%run_scoped3A_60 : memref<!tpu.dma_semaphore, #tpu.memory_space<semaphore_mem>>) src(%arg10 : memref<80x128xf32, #tpu.memory_space<vmem>>) dst(%dma_wait3A_72 : memref<10000x128xf32, #tpu.memory_space<vmem_shared>>)
        tpu.yield
      }) : () -> ()
    }
    %scan3A_15 = arith.constant 62 : i32
    %dma_wait3A = arith.constant 0 : i32
    %dma_wait3A_16 = arith.constant 0 : i32
    %dma_wait3A_17 = tpu.memref_slice %arg2[%dma_wait3A, %dma_wait3A_16] : memref<10000x128xf32, #tpu.memory_space<hbm>> -> memref<80x128xf32, #tpu.memory_space<hbm>>
    %dma_wait3A_18 = arith.constant 0 : i32
    %dma_wait3A_19 = arith.constant 0 : i32
    %dma_wait3A_20 = tpu.memref_slice %arg2[%dma_wait3A_18, %dma_wait3A_19] : memref<10000x128xf32, #tpu.memory_space<hbm>> -> memref<80x128xf32, #tpu.memory_space<hbm>>
    tpu.wait_dma2 semaphore(%arg11 : memref<!tpu.dma_semaphore, #tpu.memory_space<semaphore_mem>>) src(%dma_wait3A_20 : memref<80x128xf32, #tpu.memory_space<hbm>>) dst(%arg9 : memref<80x128xf32, #tpu.memory_space<vmem>>)
    %run_scoped3A = arith.constant 124 : i32
    "tpu.region"() ({
      %run_scoped3A_27 = tpu.sem_alloc : memref<!tpu.dma_semaphore, #tpu.memory_space<semaphore_mem>>
      %dma_start3A_28 = arith.constant 0 : i32
      %dma_start3A_29 = tpu.memref_slice %arg8[%run_scoped3A, %dma_start3A_28] : memref<125x80xi32, #tpu.memory_space<vmem>> -> memref<1x80xi32, #tpu.memory_space<vmem>>
      %dma_start3A_30 = tpu.memref_squeeze %dma_start3A_29 : memref<1x80xi32, #tpu.memory_space<vmem>> -> memref<80xi32, #tpu.memory_space<vmem>>
      %dma_start3A_31 = arith.constant 0 : i32
      %dma_start3A_32 = arith.constant 0 : i32
      %dma_start3A_33 = tpu.memref_slice %arg6[%dma_start3A_31, %dma_start3A_32] : memref<10000x128xf32, #tpu.memory_space<vmem_shared>> -> memref<10000x128xf32, #tpu.memory_space<vmem_shared>>
      tpu.enqueue_indirect_dma source(%arg9 : memref<80x128xf32, #tpu.memory_space<vmem>>) target(%dma_start3A_33 : memref<10000x128xf32, #tpu.memory_space<vmem_shared>>) offsets(%dma_start3A_30 : memref<80xi32, #tpu.memory_space<vmem>>) semaphore(%run_scoped3A_27 : memref<!tpu.dma_semaphore, #tpu.memory_space<semaphore_mem>>) {add = true}
      %dma_wait3A_34 = arith.constant 0 : i32
      %dma_wait3A_35 = tpu.memref_slice %arg8[%run_scoped3A, %dma_wait3A_34] : memref<125x80xi32, #tpu.memory_space<vmem>> -> memref<1x80xi32, #tpu.memory_space<vmem>>
      %dma_wait3A_36 = tpu.memref_squeeze %dma_wait3A_35 : memref<1x80xi32, #tpu.memory_space<vmem>> -> memref<80xi32, #tpu.memory_space<vmem>>
      %dma_wait3A_37 = arith.constant 0 : i32
      %dma_wait3A_38 = arith.constant 0 : i32
      %dma_wait3A_39 = tpu.memref_slice %arg6[%dma_wait3A_37, %dma_wait3A_38] : memref<10000x128xf32, #tpu.memory_space<vmem_shared>> -> memref<10000x128xf32, #tpu.memory_space<vmem_shared>>
      tpu.wait_indirect_dma semaphore(%run_scoped3A_27 : memref<!tpu.dma_semaphore, #tpu.memory_space<semaphore_mem>>) src(%arg9 : memref<80x128xf32, #tpu.memory_space<vmem>>) dst(%dma_wait3A_39 : memref<10000x128xf32, #tpu.memory_space<vmem_shared>>)
      tpu.yield
    }) : () -> ()
    %barrier3A_21 = arith.constant 0 : index
    tpu.barrier barrier_id(%barrier3A_21)
    "tpu.region"() ({
      %run_scoped3A_27 = tpu.sem_alloc : memref<!tpu.dma_semaphore, #tpu.memory_space<semaphore_mem>>
      %dma_start3A_28 = arith.constant 0 : i32
      %dma_start3A_29 = tpu.memref_slice %arg5[%arg0, %mul3A_8, %dma_start3A_28] : memref<2x10000x128xf32, #tpu.memory_space<hbm>> -> memref<1x624x128xf32, #tpu.memory_space<hbm>>
      %dma_start3A_30 = tpu.memref_squeeze %dma_start3A_29 : memref<1x624x128xf32, #tpu.memory_space<hbm>> -> memref<624x128xf32, #tpu.memory_space<hbm>>
      %dma_start3A_31 = arith.constant 0 : i32
      %dma_start3A_32 = tpu.memref_slice %arg6[%mul3A_8, %dma_start3A_31] : memref<10000x128xf32, #tpu.memory_space<vmem_shared>> -> memref<624x128xf32, #tpu.memory_space<vmem_shared>>
      tpu.enqueue_dma source(%dma_start3A_32 : memref<624x128xf32, #tpu.memory_space<vmem_shared>>) target(%dma_start3A_30 : memref<624x128xf32, #tpu.memory_space<hbm>>) target_semaphore(%run_scoped3A_27 : memref<!tpu.dma_semaphore, #tpu.memory_space<semaphore_mem>>)
      %dma_wait3A_33 = arith.constant 0 : i32
      %dma_wait3A_34 = tpu.memref_slice %arg5[%arg0, %mul3A_8, %dma_wait3A_33] : memref<2x10000x128xf32, #tpu.memory_space<hbm>> -> memref<1x624x128xf32, #tpu.memory_space<hbm>>
      %dma_wait3A_35 = tpu.memref_squeeze %dma_wait3A_34 : memref<1x624x128xf32, #tpu.memory_space<hbm>> -> memref<624x128xf32, #tpu.memory_space<hbm>>
      %dma_wait3A_36 = arith.constant 0 : i32
      %dma_wait3A_37 = tpu.memref_slice %arg6[%mul3A_8, %dma_wait3A_36] : memref<10000x128xf32, #tpu.memory_space<vmem_shared>> -> memref<624x128xf32, #tpu.memory_space<vmem_shared>>
      tpu.wait_dma2 semaphore(%run_scoped3A_27 : memref<!tpu.dma_semaphore, #tpu.memory_space<semaphore_mem>>) src(%dma_wait3A_37 : memref<624x128xf32, #tpu.memory_space<vmem_shared>>) dst(%dma_wait3A_35 : memref<624x128xf32, #tpu.memory_space<hbm>>)
      tpu.yield
    }) : () -> ()
    %eq3A_22 = arith.constant 0 : i32
    %eq3A_23 = arith.cmpi eq, %arg1, %eq3A_22 : i32
    %convert_element_type3A_24 = arith.extui %eq3A_23 : i1 to i32
    %cond3A_25 = arith.constant 0 : i32
    %cond3A_26 = arith.cmpi ne, %convert_element_type3A_24, %cond3A_25 : i32
    scf.if %cond3A_26 {
      "tpu.region"() ({
        %run_scoped3A_27 = tpu.sem_alloc : memref<!tpu.dma_semaphore, #tpu.memory_space<semaphore_mem>>
        %dma_start3A_28 = arith.constant 9984 : i32
        %dma_start3A_29 = arith.constant 0 : i32
        %dma_start3A_30 = tpu.memref_slice %arg5[%arg0, %dma_start3A_28, %dma_start3A_29] : memref<2x10000x128xf32, #tpu.memory_space<hbm>> -> memref<1x16x128xf32, #tpu.memory_space<hbm>>
        %dma_start3A_31 = tpu.memref_squeeze %dma_start3A_30 : memref<1x16x128xf32, #tpu.memory_space<hbm>> -> memref<16x128xf32, #tpu.memory_space<hbm>>
        %dma_start3A_32 = arith.constant 9984 : i32
        %dma_start3A_33 = arith.constant 0 : i32
        %dma_start3A_34 = tpu.memref_slice %arg6[%dma_start3A_32, %dma_start3A_33] : memref<10000x128xf32, #tpu.memory_space<vmem_shared>> -> memref<16x128xf32, #tpu.memory_space<vmem_shared>>
        tpu.enqueue_dma source(%dma_start3A_34 : memref<16x128xf32, #tpu.memory_space<vmem_shared>>) target(%dma_start3A_31 : memref<16x128xf32, #tpu.memory_space<hbm>>) target_semaphore(%run_scoped3A_27 : memref<!tpu.dma_semaphore, #tpu.memory_space<semaphore_mem>>)
        %dma_wait3A_35 = arith.constant 9984 : i32
        %dma_wait3A_36 = arith.constant 0 : i32
        %dma_wait3A_37 = tpu.memref_slice %arg5[%arg0, %dma_wait3A_35, %dma_wait3A_36] : memref<2x10000x128xf32, #tpu.memory_space<hbm>> -> memref<1x16x128xf32, #tpu.memory_space<hbm>>
        %dma_wait3A_38 = tpu.memref_squeeze %dma_wait3A_37 : memref<1x16x128xf32, #tpu.memory_space<hbm>> -> memref<16x128xf32, #tpu.memory_space<hbm>>
        %dma_wait3A_39 = arith.constant 9984 : i32
        %dma_wait3A_40 = arith.constant 0 : i32
        %dma_wait3A_41 = tpu.memref_slice %arg6[%dma_wait3A_39, %dma_wait3A_40] : memref<10000x128xf32, #tpu.memory_space<vmem_shared>> -> memref<16x128xf32, #tpu.memory_space<vmem_shared>>
        tpu.wait_dma2 semaphore(%run_scoped3A_27 : memref<!tpu.dma_semaphore, #tpu.memory_space<semaphore_mem>>) src(%dma_wait3A_41 : memref<16x128xf32, #tpu.memory_space<vmem_shared>>) dst(%dma_wait3A_38 : memref<16x128xf32, #tpu.memory_space<hbm>>)
        tpu.yield
      }) : () -> ()
    } else {
    }
    return
  }
}

#map = affine_map<(d0, d1) -> (0, 0)>
#map1 = affine_map<(d0, d1) -> (0)>
#map2 = affine_map<(d0, d1) -> (0, 0, 0)>
module attributes {stable_mosaic.version = 14 : i64} {
  func.func @agg(%arg0: i32, %arg1: i32, %arg2: memref<10000x128xf32, #tpu.memory_space<hbm>>, %arg3: memref<320000xi32, #tpu.memory_space<hbm>>, %arg4: memref<32x125x80xi32, #tpu.memory_space<hbm>>, %arg5: memref<2x10000x128xf32, #tpu.memory_space<hbm>>, %arg6: memref<10000x128xf32, #tpu.memory_space<vmem_shared>>, %arg7: memref<10000xi32, #tpu.memory_space<vmem>>, %arg8: memref<125x80xi32, #tpu.memory_space<vmem>>, %arg9: memref<80x128xf32, #tpu.memory_space<vmem>>, %arg10: memref<80x128xf32, #tpu.memory_space<vmem>>, %arg11: memref<!tpu.dma_semaphore, #tpu.memory_space<semaphore_mem>>, %arg12: memref<!tpu.dma_semaphore, #tpu.memory_space<semaphore_mem>>) attributes {dimension_semantics = [#tpu.dimension_semantics<core_parallel>, #tpu.dimension_semantics<subcore_parallel>], iteration_bounds = array<i64: 2, 16>, scalar_prefetch = 0 : i64, scratch_operands = 7 : i64, tpu.core_type = #tpu.core_type<sc_vector_subcore>, window_params = [{transform_indices = #map}, {transform_indices = #map1}, {transform_indices = #map2}, {transform_indices = #map2}]} {
    %mul3A = arith.constant 2 : i32
    %mul3A_0 = arith.muli %arg1, %mul3A : i32
    %add3A = arith.addi %mul3A_0, %arg0 : i32
    %mul3A_1 = arith.constant 10000 : i32
    %mul3A_2 = arith.muli %add3A, %mul3A_1 : i32
    "tpu.region"() ({
      %run_scoped3A_27 = tpu.sem_alloc : memref<!tpu.dma_semaphore, #tpu.memory_space<semaphore_mem>>
      %dma_start3A_28 = tpu.memref_slice %arg3[%mul3A_2] : memref<320000xi32, #tpu.memory_space<hbm>> -> memref<10000xi32, #tpu.memory_space<hbm>>
      %dma_start3A_29 = tpu.memref_slice %arg3[%mul3A_2] : memref<320000xi32, #tpu.memory_space<hbm>> -> memref<10000xi32, #tpu.memory_space<hbm>>
      tpu.enqueue_dma source(%dma_start3A_29 : memref<10000xi32, #tpu.memory_space<hbm>>) target(%arg7 : memref<10000xi32, #tpu.memory_space<vmem>>) target_semaphore(%run_scoped3A_27 : memref<!tpu.dma_semaphore, #tpu.memory_space<semaphore_mem>>)
      %dma_wait3A_30 = tpu.memref_slice %arg3[%mul3A_2] : memref<320000xi32, #tpu.memory_space<hbm>> -> memref<10000xi32, #tpu.memory_space<hbm>>
      %dma_wait3A_31 = tpu.memref_slice %arg3[%mul3A_2] : memref<320000xi32, #tpu.memory_space<hbm>> -> memref<10000xi32, #tpu.memory_space<hbm>>
      tpu.wait_dma2 semaphore(%run_scoped3A_27 : memref<!tpu.dma_semaphore, #tpu.memory_space<semaphore_mem>>) src(%dma_wait3A_31 : memref<10000xi32, #tpu.memory_space<hbm>>) dst(%arg7 : memref<10000xi32, #tpu.memory_space<vmem>>)
      tpu.yield
    }) : () -> ()
    "tpu.region"() ({
      %run_scoped3A_27 = tpu.sem_alloc : memref<!tpu.dma_semaphore, #tpu.memory_space<semaphore_mem>>
      %dma_start3A_28 = arith.constant 0 : i32
      %dma_start3A_29 = arith.constant 0 : i32
      %dma_start3A_30 = tpu.memref_slice %arg4[%add3A, %dma_start3A_28, %dma_start3A_29] : memref<32x125x80xi32, #tpu.memory_space<hbm>> -> memref<1x125x80xi32, #tpu.memory_space<hbm>>
      %dma_start3A_31 = tpu.memref_squeeze %dma_start3A_30 : memref<1x125x80xi32, #tpu.memory_space<hbm>> -> memref<125x80xi32, #tpu.memory_space<hbm>>
      %dma_start3A_32 = arith.constant 0 : i32
      %dma_start3A_33 = arith.constant 0 : i32
      %dma_start3A_34 = tpu.memref_slice %arg4[%add3A, %dma_start3A_32, %dma_start3A_33] : memref<32x125x80xi32, #tpu.memory_space<hbm>> -> memref<1x125x80xi32, #tpu.memory_space<hbm>>
      %dma_start3A_35 = tpu.memref_squeeze %dma_start3A_34 : memref<1x125x80xi32, #tpu.memory_space<hbm>> -> memref<125x80xi32, #tpu.memory_space<hbm>>
      tpu.enqueue_dma source(%dma_start3A_35 : memref<125x80xi32, #tpu.memory_space<hbm>>) target(%arg8 : memref<125x80xi32, #tpu.memory_space<vmem>>) target_semaphore(%run_scoped3A_27 : memref<!tpu.dma_semaphore, #tpu.memory_space<semaphore_mem>>)
      %dma_wait3A_36 = arith.constant 0 : i32
      %dma_wait3A_37 = arith.constant 0 : i32
      %dma_wait3A_38 = tpu.memref_slice %arg4[%add3A, %dma_wait3A_36, %dma_wait3A_37] : memref<32x125x80xi32, #tpu.memory_space<hbm>> -> memref<1x125x80xi32, #tpu.memory_space<hbm>>
      %dma_wait3A_39 = tpu.memref_squeeze %dma_wait3A_38 : memref<1x125x80xi32, #tpu.memory_space<hbm>> -> memref<125x80xi32, #tpu.memory_space<hbm>>
      %dma_wait3A_40 = arith.constant 0 : i32
      %dma_wait3A_41 = arith.constant 0 : i32
      %dma_wait3A_42 = tpu.memref_slice %arg4[%add3A, %dma_wait3A_40, %dma_wait3A_41] : memref<32x125x80xi32, #tpu.memory_space<hbm>> -> memref<1x125x80xi32, #tpu.memory_space<hbm>>
      %dma_wait3A_43 = tpu.memref_squeeze %dma_wait3A_42 : memref<1x125x80xi32, #tpu.memory_space<hbm>> -> memref<125x80xi32, #tpu.memory_space<hbm>>
      tpu.wait_dma2 semaphore(%run_scoped3A_27 : memref<!tpu.dma_semaphore, #tpu.memory_space<semaphore_mem>>) src(%dma_wait3A_43 : memref<125x80xi32, #tpu.memory_space<hbm>>) dst(%arg8 : memref<125x80xi32, #tpu.memory_space<vmem>>)
      tpu.yield
    }) : () -> ()
    %dma_start3A = arith.constant 0 : i32
    %dma_start3A_3 = tpu.memref_slice %arg7[%dma_start3A] : memref<10000xi32, #tpu.memory_space<vmem>> -> memref<80xi32, #tpu.memory_space<vmem>>
    %dma_start3A_4 = arith.constant 0 : i32
    %dma_start3A_5 = arith.constant 0 : i32
    %dma_start3A_6 = tpu.memref_slice %arg2[%dma_start3A_4, %dma_start3A_5] : memref<10000x128xf32, #tpu.memory_space<hbm>> -> memref<10000x128xf32, #tpu.memory_space<hbm>>
    tpu.enqueue_indirect_dma source(%dma_start3A_6 : memref<10000x128xf32, #tpu.memory_space<hbm>>) target(%arg9 : memref<80x128xf32, #tpu.memory_space<vmem>>) offsets(%dma_start3A_3 : memref<80xi32, #tpu.memory_space<vmem>>) semaphore(%arg11 : memref<!tpu.dma_semaphore, #tpu.memory_space<semaphore_mem>>)
    %mul3A_7 = arith.constant 624 : i32
    %mul3A_8 = arith.muli %arg1, %mul3A_7 : i32
    "tpu.region"() ({
      %run_scoped3A_27 = tpu.sem_alloc : memref<!tpu.dma_semaphore, #tpu.memory_space<semaphore_mem>>
      %dma_start3A_28 = arith.constant 0 : i32
      %dma_start3A_29 = tpu.memref_slice %arg6[%mul3A_8, %dma_start3A_28] : memref<10000x128xf32, #tpu.memory_space<vmem_shared>> -> memref<624x128xf32, #tpu.memory_space<vmem_shared>>
      %dma_start3A_30 = arith.constant 0 : i32
      %dma_start3A_31 = tpu.memref_slice %arg2[%mul3A_8, %dma_start3A_30] : memref<10000x128xf32, #tpu.memory_space<hbm>> -> memref<624x128xf32, #tpu.memory_space<hbm>>
      tpu.enqueue_dma source(%dma_start3A_31 : memref<624x128xf32, #tpu.memory_space<hbm>>) target(%dma_start3A_29 : memref<624x128xf32, #tpu.memory_space<vmem_shared>>) target_semaphore(%run_scoped3A_27 : memref<!tpu.dma_semaphore, #tpu.memory_space<semaphore_mem>>)
      %dma_wait3A_32 = arith.constant 0 : i32
      %dma_wait3A_33 = tpu.memref_slice %arg6[%mul3A_8, %dma_wait3A_32] : memref<10000x128xf32, #tpu.memory_space<vmem_shared>> -> memref<624x128xf32, #tpu.memory_space<vmem_shared>>
      %dma_wait3A_34 = arith.constant 0 : i32
      %dma_wait3A_35 = tpu.memref_slice %arg2[%mul3A_8, %dma_wait3A_34] : memref<10000x128xf32, #tpu.memory_space<hbm>> -> memref<624x128xf32, #tpu.memory_space<hbm>>
      tpu.wait_dma2 semaphore(%run_scoped3A_27 : memref<!tpu.dma_semaphore, #tpu.memory_space<semaphore_mem>>) src(%dma_wait3A_35 : memref<624x128xf32, #tpu.memory_space<hbm>>) dst(%dma_wait3A_33 : memref<624x128xf32, #tpu.memory_space<vmem_shared>>)
      tpu.yield
    }) : () -> ()
    %eq3A = arith.constant 0 : i32
    %eq3A_9 = arith.cmpi eq, %arg1, %eq3A : i32
    %convert_element_type3A = arith.extui %eq3A_9 : i1 to i32
    %cond3A = arith.constant 0 : i32
    %cond3A_10 = arith.cmpi ne, %convert_element_type3A, %cond3A : i32
    scf.if %cond3A_10 {
      "tpu.region"() ({
        %run_scoped3A_27 = tpu.sem_alloc : memref<!tpu.dma_semaphore, #tpu.memory_space<semaphore_mem>>
        %dma_start3A_28 = arith.constant 9984 : i32
        %dma_start3A_29 = arith.constant 0 : i32
        %dma_start3A_30 = tpu.memref_slice %arg6[%dma_start3A_28, %dma_start3A_29] : memref<10000x128xf32, #tpu.memory_space<vmem_shared>> -> memref<16x128xf32, #tpu.memory_space<vmem_shared>>
        %dma_start3A_31 = arith.constant 9984 : i32
        %dma_start3A_32 = arith.constant 0 : i32
        %dma_start3A_33 = tpu.memref_slice %arg2[%dma_start3A_31, %dma_start3A_32] : memref<10000x128xf32, #tpu.memory_space<hbm>> -> memref<16x128xf32, #tpu.memory_space<hbm>>
        tpu.enqueue_dma source(%dma_start3A_33 : memref<16x128xf32, #tpu.memory_space<hbm>>) target(%dma_start3A_30 : memref<16x128xf32, #tpu.memory_space<vmem_shared>>) target_semaphore(%run_scoped3A_27 : memref<!tpu.dma_semaphore, #tpu.memory_space<semaphore_mem>>)
        %dma_wait3A_34 = arith.constant 9984 : i32
        %dma_wait3A_35 = arith.constant 0 : i32
        %dma_wait3A_36 = tpu.memref_slice %arg6[%dma_wait3A_34, %dma_wait3A_35] : memref<10000x128xf32, #tpu.memory_space<vmem_shared>> -> memref<16x128xf32, #tpu.memory_space<vmem_shared>>
        %dma_wait3A_37 = arith.constant 9984 : i32
        %dma_wait3A_38 = arith.constant 0 : i32
        %dma_wait3A_39 = tpu.memref_slice %arg2[%dma_wait3A_37, %dma_wait3A_38] : memref<10000x128xf32, #tpu.memory_space<hbm>> -> memref<16x128xf32, #tpu.memory_space<hbm>>
        tpu.wait_dma2 semaphore(%run_scoped3A_27 : memref<!tpu.dma_semaphore, #tpu.memory_space<semaphore_mem>>) src(%dma_wait3A_39 : memref<16x128xf32, #tpu.memory_space<hbm>>) dst(%dma_wait3A_36 : memref<16x128xf32, #tpu.memory_space<vmem_shared>>)
        tpu.yield
      }) : () -> ()
    } else {
    }
    %barrier3A = arith.constant 0 : index
    tpu.barrier barrier_id(%barrier3A)
    %scan3A = arith.constant 0 : i32
    %scan3A_11 = arith.constant 0 : i32
    %scan3A_12 = arith.constant 62 : i32
    %scan3A_13 = arith.addi %scan3A_11, %scan3A_12 : i32
    %scan3A_14 = arith.constant 1 : i32
    scf.for %scan3A_27 = %scan3A_11 to %scan3A_13 step %scan3A_14  : i32 {
      %mul3A_28 = arith.constant 2 : i32
      %mul3A_29 = arith.muli %mul3A_28, %scan3A_27 : i32
      %add3A_30 = arith.constant 1 : i32
      %add3A_31 = arith.addi %mul3A_29, %add3A_30 : i32
      %mul3A_32 = arith.constant 80 : i32
      %mul3A_33 = arith.muli %add3A_31, %mul3A_32 : i32
      %dma_start3A_34 = tpu.memref_slice %arg7[%mul3A_33] : memref<10000xi32, #tpu.memory_space<vmem>> -> memref<80xi32, #tpu.memory_space<vmem>>
      %dma_start3A_35 = arith.constant 0 : i32
      %dma_start3A_36 = arith.constant 0 : i32
      %dma_start3A_37 = tpu.memref_slice %arg2[%dma_start3A_35, %dma_start3A_36] : memref<10000x128xf32, #tpu.memory_space<hbm>> -> memref<10000x128xf32, #tpu.memory_space<hbm>>
      tpu.enqueue_indirect_dma source(%dma_start3A_37 : memref<10000x128xf32, #tpu.memory_space<hbm>>) target(%arg10 : memref<80x128xf32, #tpu.memory_space<vmem>>) offsets(%dma_start3A_34 : memref<80xi32, #tpu.memory_space<vmem>>) semaphore(%arg12 : memref<!tpu.dma_semaphore, #tpu.memory_space<semaphore_mem>>)
      %dma_wait3A_38 = arith.constant 0 : i32
      %dma_wait3A_39 = arith.constant 0 : i32
      %dma_wait3A_40 = tpu.memref_slice %arg2[%dma_wait3A_38, %dma_wait3A_39] : memref<10000x128xf32, #tpu.memory_space<hbm>> -> memref<80x128xf32, #tpu.memory_space<hbm>>
      %dma_wait3A_41 = arith.constant 0 : i32
      %dma_wait3A_42 = arith.constant 0 : i32
      %dma_wait3A_43 = tpu.memref_slice %arg2[%dma_wait3A_41, %dma_wait3A_42] : memref<10000x128xf32, #tpu.memory_space<hbm>> -> memref<80x128xf32, #tpu.memory_space<hbm>>
      tpu.wait_dma2 semaphore(%arg11 : memref<!tpu.dma_semaphore, #tpu.memory_space<semaphore_mem>>) src(%dma_wait3A_43 : memref<80x128xf32, #tpu.memory_space<hbm>>) dst(%arg9 : memref<80x128xf32, #tpu.memory_space<vmem>>)
      "tpu.region"() ({
        %run_scoped3A_60 = tpu.sem_alloc : memref<!tpu.dma_semaphore, #tpu.memory_space<semaphore_mem>>
        %dma_start3A_61 = arith.constant 0 : i32
        %dma_start3A_62 = tpu.memref_slice %arg8[%mul3A_29, %dma_start3A_61] : memref<125x80xi32, #tpu.memory_space<vmem>> -> memref<1x80xi32, #tpu.memory_space<vmem>>
        %dma_start3A_63 = tpu.memref_squeeze %dma_start3A_62 : memref<1x80xi32, #tpu.memory_space<vmem>> -> memref<80xi32, #tpu.memory_space<vmem>>
        %dma_start3A_64 = arith.constant 0 : i32
        %dma_start3A_65 = arith.constant 0 : i32
        %dma_start3A_66 = tpu.memref_slice %arg6[%dma_start3A_64, %dma_start3A_65] : memref<10000x128xf32, #tpu.memory_space<vmem_shared>> -> memref<10000x128xf32, #tpu.memory_space<vmem_shared>>
        tpu.enqueue_indirect_dma source(%arg9 : memref<80x128xf32, #tpu.memory_space<vmem>>) target(%dma_start3A_66 : memref<10000x128xf32, #tpu.memory_space<vmem_shared>>) offsets(%dma_start3A_63 : memref<80xi32, #tpu.memory_space<vmem>>) semaphore(%run_scoped3A_60 : memref<!tpu.dma_semaphore, #tpu.memory_space<semaphore_mem>>) {add = true}
        %dma_wait3A_67 = arith.constant 0 : i32
        %dma_wait3A_68 = tpu.memref_slice %arg8[%mul3A_29, %dma_wait3A_67] : memref<125x80xi32, #tpu.memory_space<vmem>> -> memref<1x80xi32, #tpu.memory_space<vmem>>
        %dma_wait3A_69 = tpu.memref_squeeze %dma_wait3A_68 : memref<1x80xi32, #tpu.memory_space<vmem>> -> memref<80xi32, #tpu.memory_space<vmem>>
        %dma_wait3A_70 = arith.constant 0 : i32
        %dma_wait3A_71 = arith.constant 0 : i32
        %dma_wait3A_72 = tpu.memref_slice %arg6[%dma_wait3A_70, %dma_wait3A_71] : memref<10000x128xf32, #tpu.memory_space<vmem_shared>> -> memref<10000x128xf32, #tpu.memory_space<vmem_shared>>
        tpu.wait_indirect_dma semaphore(%run_scoped3A_60 : memref<!tpu.dma_semaphore, #tpu.memory_space<semaphore_mem>>) src(%arg9 : memref<80x128xf32, #tpu.memory_space<vmem>>) dst(%dma_wait3A_72 : memref<10000x128xf32, #tpu.memory_space<vmem_shared>>)
        tpu.yield
      }) : () -> ()
      %add3A_44 = arith.constant 2 : i32
      %add3A_45 = arith.addi %mul3A_29, %add3A_44 : i32
      %mul3A_46 = arith.constant 80 : i32
      %mul3A_47 = arith.muli %add3A_45, %mul3A_46 : i32
      %dma_start3A_48 = tpu.memref_slice %arg7[%mul3A_47] : memref<10000xi32, #tpu.memory_space<vmem>> -> memref<80xi32, #tpu.memory_space<vmem>>
      %dma_start3A_49 = arith.constant 0 : i32
      %dma_start3A_50 = arith.constant 0 : i32
      %dma_start3A_51 = tpu.memref_slice %arg2[%dma_start3A_49, %dma_start3A_50] : memref<10000x128xf32, #tpu.memory_space<hbm>> -> memref<10000x128xf32, #tpu.memory_space<hbm>>
      tpu.enqueue_indirect_dma source(%dma_start3A_51 : memref<10000x128xf32, #tpu.memory_space<hbm>>) target(%arg9 : memref<80x128xf32, #tpu.memory_space<vmem>>) offsets(%dma_start3A_48 : memref<80xi32, #tpu.memory_space<vmem>>) semaphore(%arg11 : memref<!tpu.dma_semaphore, #tpu.memory_space<semaphore_mem>>)
      %dma_wait3A_52 = arith.constant 0 : i32
      %dma_wait3A_53 = arith.constant 0 : i32
      %dma_wait3A_54 = tpu.memref_slice %arg2[%dma_wait3A_52, %dma_wait3A_53] : memref<10000x128xf32, #tpu.memory_space<hbm>> -> memref<80x128xf32, #tpu.memory_space<hbm>>
      %dma_wait3A_55 = arith.constant 0 : i32
      %dma_wait3A_56 = arith.constant 0 : i32
      %dma_wait3A_57 = tpu.memref_slice %arg2[%dma_wait3A_55, %dma_wait3A_56] : memref<10000x128xf32, #tpu.memory_space<hbm>> -> memref<80x128xf32, #tpu.memory_space<hbm>>
      tpu.wait_dma2 semaphore(%arg12 : memref<!tpu.dma_semaphore, #tpu.memory_space<semaphore_mem>>) src(%dma_wait3A_57 : memref<80x128xf32, #tpu.memory_space<hbm>>) dst(%arg10 : memref<80x128xf32, #tpu.memory_space<vmem>>)
      %add3A_58 = arith.constant 1 : i32
      %add3A_59 = arith.addi %mul3A_29, %add3A_58 : i32
      "tpu.region"() ({
        %run_scoped3A_60 = tpu.sem_alloc : memref<!tpu.dma_semaphore, #tpu.memory_space<semaphore_mem>>
        %dma_start3A_61 = arith.constant 0 : i32
        %dma_start3A_62 = tpu.memref_slice %arg8[%add3A_59, %dma_start3A_61] : memref<125x80xi32, #tpu.memory_space<vmem>> -> memref<1x80xi32, #tpu.memory_space<vmem>>
        %dma_start3A_63 = tpu.memref_squeeze %dma_start3A_62 : memref<1x80xi32, #tpu.memory_space<vmem>> -> memref<80xi32, #tpu.memory_space<vmem>>
        %dma_start3A_64 = arith.constant 0 : i32
        %dma_start3A_65 = arith.constant 0 : i32
        %dma_start3A_66 = tpu.memref_slice %arg6[%dma_start3A_64, %dma_start3A_65] : memref<10000x128xf32, #tpu.memory_space<vmem_shared>> -> memref<10000x128xf32, #tpu.memory_space<vmem_shared>>
        tpu.enqueue_indirect_dma source(%arg10 : memref<80x128xf32, #tpu.memory_space<vmem>>) target(%dma_start3A_66 : memref<10000x128xf32, #tpu.memory_space<vmem_shared>>) offsets(%dma_start3A_63 : memref<80xi32, #tpu.memory_space<vmem>>) semaphore(%run_scoped3A_60 : memref<!tpu.dma_semaphore, #tpu.memory_space<semaphore_mem>>) {add = true}
        %dma_wait3A_67 = arith.constant 0 : i32
        %dma_wait3A_68 = tpu.memref_slice %arg8[%add3A_59, %dma_wait3A_67] : memref<125x80xi32, #tpu.memory_space<vmem>> -> memref<1x80xi32, #tpu.memory_space<vmem>>
        %dma_wait3A_69 = tpu.memref_squeeze %dma_wait3A_68 : memref<1x80xi32, #tpu.memory_space<vmem>> -> memref<80xi32, #tpu.memory_space<vmem>>
        %dma_wait3A_70 = arith.constant 0 : i32
        %dma_wait3A_71 = arith.constant 0 : i32
        %dma_wait3A_72 = tpu.memref_slice %arg6[%dma_wait3A_70, %dma_wait3A_71] : memref<10000x128xf32, #tpu.memory_space<vmem_shared>> -> memref<10000x128xf32, #tpu.memory_space<vmem_shared>>
        tpu.wait_indirect_dma semaphore(%run_scoped3A_60 : memref<!tpu.dma_semaphore, #tpu.memory_space<semaphore_mem>>) src(%arg10 : memref<80x128xf32, #tpu.memory_space<vmem>>) dst(%dma_wait3A_72 : memref<10000x128xf32, #tpu.memory_space<vmem_shared>>)
        tpu.yield
      }) : () -> ()
    }
    %scan3A_15 = arith.constant 62 : i32
    %dma_wait3A = arith.constant 0 : i32
    %dma_wait3A_16 = arith.constant 0 : i32
    %dma_wait3A_17 = tpu.memref_slice %arg2[%dma_wait3A, %dma_wait3A_16] : memref<10000x128xf32, #tpu.memory_space<hbm>> -> memref<80x128xf32, #tpu.memory_space<hbm>>
    %dma_wait3A_18 = arith.constant 0 : i32
    %dma_wait3A_19 = arith.constant 0 : i32
    %dma_wait3A_20 = tpu.memref_slice %arg2[%dma_wait3A_18, %dma_wait3A_19] : memref<10000x128xf32, #tpu.memory_space<hbm>> -> memref<80x128xf32, #tpu.memory_space<hbm>>
    tpu.wait_dma2 semaphore(%arg11 : memref<!tpu.dma_semaphore, #tpu.memory_space<semaphore_mem>>) src(%dma_wait3A_20 : memref<80x128xf32, #tpu.memory_space<hbm>>) dst(%arg9 : memref<80x128xf32, #tpu.memory_space<vmem>>)
    %run_scoped3A = arith.constant 124 : i32
    "tpu.region"() ({
      %run_scoped3A_27 = tpu.sem_alloc : memref<!tpu.dma_semaphore, #tpu.memory_space<semaphore_mem>>
      %dma_start3A_28 = arith.constant 0 : i32
      %dma_start3A_29 = tpu.memref_slice %arg8[%run_scoped3A, %dma_start3A_28] : memref<125x80xi32, #tpu.memory_space<vmem>> -> memref<1x80xi32, #tpu.memory_space<vmem>>
      %dma_start3A_30 = tpu.memref_squeeze %dma_start3A_29 : memref<1x80xi32, #tpu.memory_space<vmem>> -> memref<80xi32, #tpu.memory_space<vmem>>
      %dma_start3A_31 = arith.constant 0 : i32
      %dma_start3A_32 = arith.constant 0 : i32
      %dma_start3A_33 = tpu.memref_slice %arg6[%dma_start3A_31, %dma_start3A_32] : memref<10000x128xf32, #tpu.memory_space<vmem_shared>> -> memref<10000x128xf32, #tpu.memory_space<vmem_shared>>
      tpu.enqueue_indirect_dma source(%arg9 : memref<80x128xf32, #tpu.memory_space<vmem>>) target(%dma_start3A_33 : memref<10000x128xf32, #tpu.memory_space<vmem_shared>>) offsets(%dma_start3A_30 : memref<80xi32, #tpu.memory_space<vmem>>) semaphore(%run_scoped3A_27 : memref<!tpu.dma_semaphore, #tpu.memory_space<semaphore_mem>>) {add = true}
      %dma_wait3A_34 = arith.constant 0 : i32
      %dma_wait3A_35 = tpu.memref_slice %arg8[%run_scoped3A, %dma_wait3A_34] : memref<125x80xi32, #tpu.memory_space<vmem>> -> memref<1x80xi32, #tpu.memory_space<vmem>>
      %dma_wait3A_36 = tpu.memref_squeeze %dma_wait3A_35 : memref<1x80xi32, #tpu.memory_space<vmem>> -> memref<80xi32, #tpu.memory_space<vmem>>
      %dma_wait3A_37 = arith.constant 0 : i32
      %dma_wait3A_38 = arith.constant 0 : i32
      %dma_wait3A_39 = tpu.memref_slice %arg6[%dma_wait3A_37, %dma_wait3A_38] : memref<10000x128xf32, #tpu.memory_space<vmem_shared>> -> memref<10000x128xf32, #tpu.memory_space<vmem_shared>>
      tpu.wait_indirect_dma semaphore(%run_scoped3A_27 : memref<!tpu.dma_semaphore, #tpu.memory_space<semaphore_mem>>) src(%arg9 : memref<80x128xf32, #tpu.memory_space<vmem>>) dst(%dma_wait3A_39 : memref<10000x128xf32, #tpu.memory_space<vmem_shared>>)
      tpu.yield
    }) : () -> ()
    %barrier3A_21 = arith.constant 0 : index
    tpu.barrier barrier_id(%barrier3A_21)
    "tpu.region"() ({
      %run_scoped3A_27 = tpu.sem_alloc : memref<!tpu.dma_semaphore, #tpu.memory_space<semaphore_mem>>
      %dma_start3A_28 = arith.constant 0 : i32
      %dma_start3A_29 = tpu.memref_slice %arg5[%arg0, %mul3A_8, %dma_start3A_28] : memref<2x10000x128xf32, #tpu.memory_space<hbm>> -> memref<1x624x128xf32, #tpu.memory_space<hbm>>
      %dma_start3A_30 = tpu.memref_squeeze %dma_start3A_29 : memref<1x624x128xf32, #tpu.memory_space<hbm>> -> memref<624x128xf32, #tpu.memory_space<hbm>>
      %dma_start3A_31 = arith.constant 0 : i32
      %dma_start3A_32 = tpu.memref_slice %arg6[%mul3A_8, %dma_start3A_31] : memref<10000x128xf32, #tpu.memory_space<vmem_shared>> -> memref<624x128xf32, #tpu.memory_space<vmem_shared>>
      tpu.enqueue_dma source(%dma_start3A_32 : memref<624x128xf32, #tpu.memory_space<vmem_shared>>) target(%dma_start3A_30 : memref<624x128xf32, #tpu.memory_space<hbm>>) target_semaphore(%run_scoped3A_27 : memref<!tpu.dma_semaphore, #tpu.memory_space<semaphore_mem>>)
      %dma_wait3A_33 = arith.constant 0 : i32
      %dma_wait3A_34 = tpu.memref_slice %arg5[%arg0, %mul3A_8, %dma_wait3A_33] : memref<2x10000x128xf32, #tpu.memory_space<hbm>> -> memref<1x624x128xf32, #tpu.memory_space<hbm>>
      %dma_wait3A_35 = tpu.memref_squeeze %dma_wait3A_34 : memref<1x624x128xf32, #tpu.memory_space<hbm>> -> memref<624x128xf32, #tpu.memory_space<hbm>>
      %dma_wait3A_36 = arith.constant 0 : i32
      %dma_wait3A_37 = tpu.memref_slice %arg6[%mul3A_8, %dma_wait3A_36] : memref<10000x128xf32, #tpu.memory_space<vmem_shared>> -> memref<624x128xf32, #tpu.memory_space<vmem_shared>>
      tpu.wait_dma2 semaphore(%run_scoped3A_27 : memref<!tpu.dma_semaphore, #tpu.memory_space<semaphore_mem>>) src(%dma_wait3A_37 : memref<624x128xf32, #tpu.memory_space<vmem_shared>>) dst(%dma_wait3A_35 : memref<624x128xf32, #tpu.memory_space<hbm>>)
      tpu.yield
    }) : () -> ()
    %eq3A_22 = arith.constant 0 : i32
    %eq3A_23 = arith.cmpi eq, %arg1, %eq3A_22 : i32
    %convert_element_type3A_24 = arith.extui %eq3A_23 : i1 to i32
    %cond3A_25 = arith.constant 0 : i32
    %cond3A_26 = arith.cmpi ne, %convert_element_type3A_24, %cond3A_25 : i32
    scf.if %cond3A_26 {
      "tpu.region"() ({
        %run_scoped3A_27 = tpu.sem_alloc : memref<!tpu.dma_semaphore, #tpu.memory_space<semaphore_mem>>
        %dma_start3A_28 = arith.constant 9984 : i32
        %dma_start3A_29 = arith.constant 0 : i32
        %dma_start3A_30 = tpu.memref_slice %arg5[%arg0, %dma_start3A_28, %dma_start3A_29] : memref<2x10000x128xf32, #tpu.memory_space<hbm>> -> memref<1x16x128xf32, #tpu.memory_space<hbm>>
        %dma_start3A_31 = tpu.memref_squeeze %dma_start3A_30 : memref<1x16x128xf32, #tpu.memory_space<hbm>> -> memref<16x128xf32, #tpu.memory_space<hbm>>
        %dma_start3A_32 = arith.constant 9984 : i32
        %dma_start3A_33 = arith.constant 0 : i32
        %dma_start3A_34 = tpu.memref_slice %arg6[%dma_start3A_32, %dma_start3A_33] : memref<10000x128xf32, #tpu.memory_space<vmem_shared>> -> memref<16x128xf32, #tpu.memory_space<vmem_shared>>
        tpu.enqueue_dma source(%dma_start3A_34 : memref<16x128xf32, #tpu.memory_space<vmem_shared>>) target(%dma_start3A_31 : memref<16x128xf32, #tpu.memory_space<hbm>>) target_semaphore(%run_scoped3A_27 : memref<!tpu.dma_semaphore, #tpu.memory_space<semaphore_mem>>)
        %dma_wait3A_35 = arith.constant 9984 : i32
        %dma_wait3A_36 = arith.constant 0 : i32
        %dma_wait3A_37 = tpu.memref_slice %arg5[%arg0, %dma_wait3A_35, %dma_wait3A_36] : memref<2x10000x128xf32, #tpu.memory_space<hbm>> -> memref<1x16x128xf32, #tpu.memory_space<hbm>>
        %dma_wait3A_38 = tpu.memref_squeeze %dma_wait3A_37 : memref<1x16x128xf32, #tpu.memory_space<hbm>> -> memref<16x128xf32, #tpu.memory_space<hbm>>
        %dma_wait3A_39 = arith.constant 9984 : i32
        %dma_wait3A_40 = arith.constant 0 : i32
        %dma_wait3A_41 = tpu.memref_slice %arg6[%dma_wait3A_39, %dma_wait3A_40] : memref<10000x128xf32, #tpu.memory_space<vmem_shared>> -> memref<16x128xf32, #tpu.memory_space<vmem_shared>>
        tpu.wait_dma2 semaphore(%run_scoped3A_27 : memref<!tpu.dma_semaphore, #tpu.memory_space<semaphore_mem>>) src(%dma_wait3A_41 : memref<16x128xf32, #tpu.memory_space<vmem_shared>>) dst(%dma_wait3A_38 : memref<16x128xf32, #tpu.memory_space<hbm>>)
        tpu.yield
      }) : () -> ()
    } else {
    }
    return
  }
}

module attributes {stable_mosaic.version = 14 : i64} {
  func.func @_mlp_body(%arg0: i32, %arg1: memref<2x2000x128xf32, #tpu.memory_space<vmem>>, %arg2: memref<2000x128xf32, #tpu.memory_space<vmem>>, %arg3: memref<128x128xf32, #tpu.memory_space<vmem>>, %arg4: memref<1x128xf32, #tpu.memory_space<vmem>>, %arg5: memref<128x128xf32, #tpu.memory_space<vmem>>, %arg6: memref<1x128xf32, #tpu.memory_space<vmem>>, %arg7: memref<2000x128xf32, #tpu.memory_space<vmem>>) attributes {dimension_semantics = [#tpu.dimension_semantics<arbitrary>], iteration_bounds = array<i64: 5>, scalar_prefetch = 0 : i64, scratch_operands = 0 : i64, tpu.core_type = #tpu.core_type<tc>, window_params = [{transform_indices = @transform_0, window_bounds = array<i64: 2, 2000, 128>}, {transform_indices = @transform_1, window_bounds = array<i64: 2000, 128>}, {pipeline_mode = #tpu.pipeline_mode<synchronous>, transform_indices = @transform_2, window_bounds = array<i64: 128, 128>}, {pipeline_mode = #tpu.pipeline_mode<synchronous>, transform_indices = @transform_3, window_bounds = array<i64: 1, 128>}, {pipeline_mode = #tpu.pipeline_mode<synchronous>, transform_indices = @transform_4, window_bounds = array<i64: 128, 128>}, {pipeline_mode = #tpu.pipeline_mode<synchronous>, transform_indices = @transform_5, window_bounds = array<i64: 1, 128>}, {transform_indices = @transform_6, window_bounds = array<i64: 2000, 128>}]} {
    %get3A = arith.constant 0 : index
    %get3A_0 = arith.constant 0 : index
    %get3A_1 = arith.constant 0 : index
    %get3A_2 = vector.load %arg1[%get3A, %get3A_0, %get3A_1] : memref<2x2000x128xf32, #tpu.memory_space<vmem>>, vector<1x2000x128xf32>
    %get3A_3 = vector.shape_cast %get3A_2 : vector<1x2000x128xf32> to vector<2000x128xf32>
    %get3A_4 = arith.constant 1 : index
    %get3A_5 = arith.constant 0 : index
    %get3A_6 = arith.constant 0 : index
    %get3A_7 = vector.load %arg1[%get3A_4, %get3A_5, %get3A_6] : memref<2x2000x128xf32, #tpu.memory_space<vmem>>, vector<1x2000x128xf32>
    %get3A_8 = vector.shape_cast %get3A_7 : vector<1x2000x128xf32> to vector<2000x128xf32>
    %add3A = arith.addf %get3A_3, %get3A_8 : vector<2000x128xf32>
    %get3A_9 = arith.constant 0 : index
    %get3A_10 = arith.constant 0 : index
    %get3A_11 = vector.load %arg2[%get3A_9, %get3A_10] : memref<2000x128xf32, #tpu.memory_space<vmem>>, vector<2000x128xf32>
    %sub3A = arith.subf %add3A, %get3A_11 : vector<2000x128xf32>
    %get3A_12 = arith.constant 0 : index
    %get3A_13 = arith.constant 0 : index
    %get3A_14 = vector.load %arg3[%get3A_12, %get3A_13] : memref<128x128xf32, #tpu.memory_space<vmem>>, vector<128x128xf32>
    %dot_general3A = arith.constant dense<0.000000e+00> : vector<2000x128xf32>
    %dot_general3A_15 = tpu.matmul %sub3A, %get3A_14, %dot_general3A {dimension_numbers = #tpu.dot_dimension_numbers<[1], [0], [0], [1], [0, 0, 1, 1], [], []>, transpose_lhs_hint = false} : vector<2000x128xf32>, vector<128x128xf32>, vector<2000x128xf32> -> vector<2000x128xf32>
    %get3A_16 = arith.constant 0 : index
    %get3A_17 = arith.constant 0 : index
    %get3A_18 = vector.load %arg4[%get3A_16, %get3A_17] : memref<1x128xf32, #tpu.memory_space<vmem>>, vector<1x128xf32>
    %add3A_19 = vector.broadcast %get3A_18 : vector<1x128xf32> to vector<2000x128xf32>
    %add3A_20 = arith.addf %dot_general3A_15, %add3A_19 : vector<2000x128xf32>
    %max3A = arith.constant 0.000000e+00 : f32
    %max3A_21 = vector.broadcast %max3A : f32 to vector<2000x128xf32>
    %max3A_22 = arith.maximumf %add3A_20, %max3A_21 : vector<2000x128xf32>
    %get3A_23 = arith.constant 0 : index
    %get3A_24 = arith.constant 0 : index
    %get3A_25 = vector.load %arg5[%get3A_23, %get3A_24] : memref<128x128xf32, #tpu.memory_space<vmem>>, vector<128x128xf32>
    %dot_general3A_26 = arith.constant dense<0.000000e+00> : vector<2000x128xf32>
    %dot_general3A_27 = tpu.matmul %max3A_22, %get3A_25, %dot_general3A_26 {dimension_numbers = #tpu.dot_dimension_numbers<[1], [0], [0], [1], [0, 0, 1, 1], [], []>, transpose_lhs_hint = false} : vector<2000x128xf32>, vector<128x128xf32>, vector<2000x128xf32> -> vector<2000x128xf32>
    %get3A_28 = arith.constant 0 : index
    %get3A_29 = arith.constant 0 : index
    %get3A_30 = vector.load %arg6[%get3A_28, %get3A_29] : memref<1x128xf32, #tpu.memory_space<vmem>>, vector<1x128xf32>
    %add3A_31 = vector.broadcast %get3A_30 : vector<1x128xf32> to vector<2000x128xf32>
    %add3A_32 = arith.addf %dot_general3A_27, %add3A_31 : vector<2000x128xf32>
    %max3A_33 = arith.constant 0.000000e+00 : f32
    %max3A_34 = vector.broadcast %max3A_33 : f32 to vector<2000x128xf32>
    %max3A_35 = arith.maximumf %add3A_32, %max3A_34 : vector<2000x128xf32>
    %swap3A = arith.constant 0 : index
    %swap3A_36 = arith.constant 0 : index
    %swap3A_37 = vector.load %arg7[%swap3A, %swap3A_36] : memref<2000x128xf32, #tpu.memory_space<vmem>>, vector<2000x128xf32>
    tpu.vector_store %arg7[%swap3A, %swap3A_36], %max3A_35 {strides = array<i32>} : memref<2000x128xf32, #tpu.memory_space<vmem>>, vector<2000x128xf32>,
    return
  }
  func.func @transform_0(%arg0: i32) -> (i32, i32, i32) {
    %c0_i32 = arith.constant 0 : i32
    %c0_i32_0 = arith.constant 0 : i32
    %c0_i32_1 = arith.constant 0 : i32
    return %c0_i32, %arg0, %c0_i32_0 : i32, i32, i32
  }
  func.func @transform_1(%arg0: i32) -> (i32, i32) {
    %c0_i32 = arith.constant 0 : i32
    %c0_i32_0 = arith.constant 0 : i32
    return %arg0, %c0_i32 : i32, i32
  }
  func.func @transform_2(%arg0: i32) -> (i32, i32) {
    %c0_i32 = arith.constant 0 : i32
    %c0_i32_0 = arith.constant 0 : i32
    %c0_i32_1 = arith.constant 0 : i32
    return %c0_i32, %c0_i32_0 : i32, i32
  }
  func.func @transform_3(%arg0: i32) -> (i32, i32) {
    %c0_i32 = arith.constant 0 : i32
    %c0_i32_0 = arith.constant 0 : i32
    %c0_i32_1 = arith.constant 0 : i32
    return %c0_i32, %c0_i32_0 : i32, i32
  }
  func.func @transform_4(%arg0: i32) -> (i32, i32) {
    %c0_i32 = arith.constant 0 : i32
    %c0_i32_0 = arith.constant 0 : i32
    %c0_i32_1 = arith.constant 0 : i32
    return %c0_i32, %c0_i32_0 : i32, i32
  }
  func.func @transform_5(%arg0: i32) -> (i32, i32) {
    %c0_i32 = arith.constant 0 : i32
    %c0_i32_0 = arith.constant 0 : i32
    %c0_i32_1 = arith.constant 0 : i32
    return %c0_i32, %c0_i32_0 : i32, i32
  }
  func.func @transform_6(%arg0: i32) -> (i32, i32) {
    %c0_i32 = arith.constant 0 : i32
    %c0_i32_0 = arith.constant 0 : i32
    return %arg0, %c0_i32 : i32, i32
  }
}

module attributes {stable_mosaic.version = 14 : i64} {
  func.func @_mlp_body(%arg0: i32, %arg1: memref<2x2000x128xf32, #tpu.memory_space<vmem>>, %arg2: memref<2000x128xf32, #tpu.memory_space<vmem>>, %arg3: memref<128x128xf32, #tpu.memory_space<vmem>>, %arg4: memref<1x128xf32, #tpu.memory_space<vmem>>, %arg5: memref<128x128xf32, #tpu.memory_space<vmem>>, %arg6: memref<1x128xf32, #tpu.memory_space<vmem>>, %arg7: memref<2000x128xf32, #tpu.memory_space<vmem>>) attributes {dimension_semantics = [#tpu.dimension_semantics<arbitrary>], iteration_bounds = array<i64: 5>, scalar_prefetch = 0 : i64, scratch_operands = 0 : i64, tpu.core_type = #tpu.core_type<tc>, window_params = [{transform_indices = @transform_0, window_bounds = array<i64: 2, 2000, 128>}, {transform_indices = @transform_1, window_bounds = array<i64: 2000, 128>}, {pipeline_mode = #tpu.pipeline_mode<synchronous>, transform_indices = @transform_2, window_bounds = array<i64: 128, 128>}, {pipeline_mode = #tpu.pipeline_mode<synchronous>, transform_indices = @transform_3, window_bounds = array<i64: 1, 128>}, {pipeline_mode = #tpu.pipeline_mode<synchronous>, transform_indices = @transform_4, window_bounds = array<i64: 128, 128>}, {pipeline_mode = #tpu.pipeline_mode<synchronous>, transform_indices = @transform_5, window_bounds = array<i64: 1, 128>}, {transform_indices = @transform_6, window_bounds = array<i64: 2000, 128>}]} {
    %get3A = arith.constant 0 : index
    %get3A_0 = arith.constant 0 : index
    %get3A_1 = arith.constant 0 : index
    %get3A_2 = vector.load %arg1[%get3A, %get3A_0, %get3A_1] : memref<2x2000x128xf32, #tpu.memory_space<vmem>>, vector<1x2000x128xf32>
    %get3A_3 = vector.shape_cast %get3A_2 : vector<1x2000x128xf32> to vector<2000x128xf32>
    %get3A_4 = arith.constant 1 : index
    %get3A_5 = arith.constant 0 : index
    %get3A_6 = arith.constant 0 : index
    %get3A_7 = vector.load %arg1[%get3A_4, %get3A_5, %get3A_6] : memref<2x2000x128xf32, #tpu.memory_space<vmem>>, vector<1x2000x128xf32>
    %get3A_8 = vector.shape_cast %get3A_7 : vector<1x2000x128xf32> to vector<2000x128xf32>
    %add3A = arith.addf %get3A_3, %get3A_8 : vector<2000x128xf32>
    %get3A_9 = arith.constant 0 : index
    %get3A_10 = arith.constant 0 : index
    %get3A_11 = vector.load %arg2[%get3A_9, %get3A_10] : memref<2000x128xf32, #tpu.memory_space<vmem>>, vector<2000x128xf32>
    %sub3A = arith.subf %add3A, %get3A_11 : vector<2000x128xf32>
    %get3A_12 = arith.constant 0 : index
    %get3A_13 = arith.constant 0 : index
    %get3A_14 = vector.load %arg3[%get3A_12, %get3A_13] : memref<128x128xf32, #tpu.memory_space<vmem>>, vector<128x128xf32>
    %dot_general3A = arith.constant dense<0.000000e+00> : vector<2000x128xf32>
    %dot_general3A_15 = tpu.matmul %sub3A, %get3A_14, %dot_general3A {dimension_numbers = #tpu.dot_dimension_numbers<[1], [0], [0], [1], [0, 0, 1, 1], [], []>, transpose_lhs_hint = false} : vector<2000x128xf32>, vector<128x128xf32>, vector<2000x128xf32> -> vector<2000x128xf32>
    %get3A_16 = arith.constant 0 : index
    %get3A_17 = arith.constant 0 : index
    %get3A_18 = vector.load %arg4[%get3A_16, %get3A_17] : memref<1x128xf32, #tpu.memory_space<vmem>>, vector<1x128xf32>
    %add3A_19 = vector.broadcast %get3A_18 : vector<1x128xf32> to vector<2000x128xf32>
    %add3A_20 = arith.addf %dot_general3A_15, %add3A_19 : vector<2000x128xf32>
    %max3A = arith.constant 0.000000e+00 : f32
    %max3A_21 = vector.broadcast %max3A : f32 to vector<2000x128xf32>
    %max3A_22 = arith.maximumf %add3A_20, %max3A_21 : vector<2000x128xf32>
    %get3A_23 = arith.constant 0 : index
    %get3A_24 = arith.constant 0 : index
    %get3A_25 = vector.load %arg5[%get3A_23, %get3A_24] : memref<128x128xf32, #tpu.memory_space<vmem>>, vector<128x128xf32>
    %dot_general3A_26 = arith.constant dense<0.000000e+00> : vector<2000x128xf32>
    %dot_general3A_27 = tpu.matmul %max3A_22, %get3A_25, %dot_general3A_26 {dimension_numbers = #tpu.dot_dimension_numbers<[1], [0], [0], [1], [0, 0, 1, 1], [], []>, transpose_lhs_hint = false} : vector<2000x128xf32>, vector<128x128xf32>, vector<2000x128xf32> -> vector<2000x128xf32>
    %get3A_28 = arith.constant 0 : index
    %get3A_29 = arith.constant 0 : index
    %get3A_30 = vector.load %arg6[%get3A_28, %get3A_29] : memref<1x128xf32, #tpu.memory_space<vmem>>, vector<1x128xf32>
    %add3A_31 = vector.broadcast %get3A_30 : vector<1x128xf32> to vector<2000x128xf32>
    %add3A_32 = arith.addf %dot_general3A_27, %add3A_31 : vector<2000x128xf32>
    %max3A_33 = arith.constant 0.000000e+00 : f32
    %max3A_34 = vector.broadcast %max3A_33 : f32 to vector<2000x128xf32>
    %max3A_35 = arith.maximumf %add3A_32, %max3A_34 : vector<2000x128xf32>
    %swap3A = arith.constant 0 : index
    %swap3A_36 = arith.constant 0 : index
    %swap3A_37 = vector.load %arg7[%swap3A, %swap3A_36] : memref<2000x128xf32, #tpu.memory_space<vmem>>, vector<2000x128xf32>
    tpu.vector_store %arg7[%swap3A, %swap3A_36], %max3A_35 {strides = array<i32>} : memref<2000x128xf32, #tpu.memory_space<vmem>>, vector<2000x128xf32>,
    return
  }
  func.func @transform_0(%arg0: i32) -> (i32, i32, i32) {
    %c0_i32 = arith.constant 0 : i32
    %c0_i32_0 = arith.constant 0 : i32
    %c0_i32_1 = arith.constant 0 : i32
    return %c0_i32, %arg0, %c0_i32_0 : i32, i32, i32
  }
  func.func @transform_1(%arg0: i32) -> (i32, i32) {
    %c0_i32 = arith.constant 0 : i32
    %c0_i32_0 = arith.constant 0 : i32
    return %arg0, %c0_i32 : i32, i32
  }
  func.func @transform_2(%arg0: i32) -> (i32, i32) {
    %c0_i32 = arith.constant 0 : i32
    %c0_i32_0 = arith.constant 0 : i32
    %c0_i32_1 = arith.constant 0 : i32
    return %c0_i32, %c0_i32_0 : i32, i32
  }
  func.func @transform_3(%arg0: i32) -> (i32, i32) {
    %c0_i32 = arith.constant 0 : i32
    %c0_i32_0 = arith.constant 0 : i32
    %c0_i32_1 = arith.constant 0 : i32
    return %c0_i32, %c0_i32_0 : i32, i32
  }
  func.func @transform_4(%arg0: i32) -> (i32, i32) {
    %c0_i32 = arith.constant 0 : i32
    %c0_i32_0 = arith.constant 0 : i32
    %c0_i32_1 = arith.constant 0 : i32
    return %c0_i32, %c0_i32_0 : i32, i32
  }
  func.func @transform_5(%arg0: i32) -> (i32, i32) {
    %c0_i32 = arith.constant 0 : i32
    %c0_i32_0 = arith.constant 0 : i32
    %c0_i32_1 = arith.constant 0 : i32
    return %c0_i32, %c0_i32_0 : i32, i32
  }
  func.func @transform_6(%arg0: i32) -> (i32, i32) {
    %c0_i32 = arith.constant 0 : i32
    %c0_i32_0 = arith.constant 0 : i32
    return %arg0, %c0_i32 : i32, i32
  }
}

</mosaic_0001>

<sc_bundles>
// kernel: kernel.6.cloned.1.call-start
scs
__scs_entry_jumppad:
0x0: {  	(pc) =	sbr.rel $0x88, $3  }
0x1: {  	(tag) =	ssettag $0x0;
	lr =	simm.s32 $0x1  }
0x2: {  	[smem:$0x3F97] =	sst lr;
	_ =	strace $0xD0000000  }
0x3: {  	_ = 	snop  }
0x4: {  	_ = 	snop  }
0x5: {  	_ = 	snop  }
0x6: {  	_ = 	snop  }
0x7: {  	_ = 	snop  }
__scs_overlays_trampoline_lowered:
0x8: {  	[smem:$0x3FA6] =	sst s0  }
0x9: {  	[smem:$0x3FA7] =	sst s1  }
0xa: {  	[smem:$0x3FA8] =	sst s2  }
0xb: {  	[smem:$0x3FA9] =	sst s3  }
0xc: {  	[smem:$0x3FAA] =	sst s4  }
0xd: {  	[smem:$0x3FAB] =	sst s5  }
0xe: {  	[smem:$0x3FAC] =	sst s6  }
0xf: {  	[smem:$0x3FAD] =	sst s7  }
0x10: {  	[smem:$0x3FAE] =	sst s8  }
0x11: {  	[smem:$0x3FAF] =	sst s9;
	s0 =	simm.s32 @!p0 $0x0  }
0x12: {  	s1 =	sld [smem:$0x3F95];
	s0 =	simm.s32 @p0 $0x1  }
0x13: {  	[smem:$0x3FB0] =	sst s0;
	s0 =	simm.s32 @!p1 $0x0  }
0x14: {  	s2 =	sld [smem:$0x3F94];
	s0 =	simm.s32 @p1 $0x1  }
0x15: {  	[smem:$0x3FB1] =	sst s0;
	s0 =	simm.s32 @!p2 $0x0  }
0x16: {  	s3 =	sld [smem:$0x3FDB];
	s0 =	simm.s32 @p2 $0x1  }
0x17: {  	s4 =	simm.s32 $0x1BF5;
	[smem:$0x3FB3] =	sst s0  }
0x18: {  	s0 =	sld [smem:$0x3F96];
	_ =	swait.ge [sflag:s4], $0x0  }
0x19: {  	s7 =	sld [smem:$0x3F97]  }
0x1a: {  	s8 =	sadd.s32 $0xFFFFE003, lr  }
0x1b: {  	s9 =	sadd.s32 $0xFFFFFEF7, lr;
	s5 =	simm.s32 $0xFFFFFFFF;
	p2 =	slt.u32 s8, $0xFFFFF086  }
0x1c: {  	p1 =	slt.u32 s9, $0xF7A;
	s5 =	simm.s32 @!p2 $0x0  }
0x1d: {  	s5 =	simm.s32 @p1 $0x1;
	p0 =	seq.s32 s7, s2  }
0x1e: {  	s7 =	smul.u32 @!p0 $0xF7A, s2;
	p2 =	seq.s32 @!p0 s5, $0x0  }
0x1f: {  	s9 =	smul.u32 $0xF7A, s1;
	s8 =	simm.s32 @!p0 $0x1BF5;
	p2 =	por !p2, p0  }
0x20: {  	[sflag:s8] =	ssyncset.s32 @!p0 $0xFFFFF086;
	s6 =	sadd.s32 @!p0 s3, s7;
	s7 =	simm.s32 @!p0 $0x108  }
0x21: {  	s3 =	sadd.s32 s3, s9;
	s6 =	sadd.s32 @!p0 $0x88, s6;
	s7 =	simm.s32 @p2 $0x1082  }
0x22: {  	[simem:s7], [sflag:s8] =	dma.local @!p0 [hbm:s6], $0xF7A  }
0x23: {  	s9 =	sor.u32 $0xD0000000, s2;
	s6 =	simm.s32 $0x108;
	_ =	swait.ge @!p0 [sflag:s8], $0x0  }
0x24: {  	s3 =	sadd.s32 $0x88, s3;
	s6 =	simm.s32 @!p1 $0x1082;
	[sflag:s4] =	ssyncset.s32 $0xFFFFF086  }
0x25: {  	[simem:s6], [sflag:s4] =	dma.local [hbm:s3], $0xF7A  }
0x26: {  	[smem:$0x3F97] =	sst s1;
	(tag) =	ssettag s2;
	_ =	strace s9  }
0x27: {  	s1 =	sld [smem:$0x3FA7]  }
0x28: {  	s2 =	sld [smem:$0x3FA8]  }
0x29: {  	s4 =	sld [smem:$0x3FAA]  }
0x2a: {  	p0 =	seq.s32 s5, $0x0;
	s5 =	sld [smem:$0x3FAB]  }
0x2b: {  	s6 =	sld [smem:$0x3FAC]  }
0x2c: {  	s7 =	sld [smem:$0x3FAD]  }
0x2d: {  	s3 =	simm.s32 $0x108;
	s8 =	sld [smem:$0x3FAE]  }
0x2e: {  	s3 =	simm.s32 @!p0 $0x1082;
	s9 =	sld [smem:$0x3FAF]  }
0x2f: {  	lr =	sadd.s32 s0, s3;
	s0 =	sld [smem:$0x3FA6]  }
0x30: {  	s3 =	sld [smem:$0x3FA9]  }
0x31: {  	[smem:$0x3FB2] =	sst s10  }
0x32: {  	s10 =	sld [smem:$0x3FB0];
	_ =	sdelay $0x3  }
0x33: {  	p0 =	seq.s32 s10, $0x1;
	s10 =	sld [smem:$0x3FB2];
	_ =	sdelay $0x3  }
0x34: {  	[smem:$0x3FB2] =	sst s10  }
0x35: {  	s10 =	sld [smem:$0x3FB1];
	_ =	sdelay $0x3  }
0x36: {  	p1 =	seq.s32 s10, $0x1;
	s10 =	sld [smem:$0x3FB2];
	_ =	sdelay $0x3  }
0x37: {  	[smem:$0x3FB2] =	sst s10  }
0x38: {  	s10 =	sld [smem:$0x3FB3]  }
0x39: {  	_ = 	snop;
	(pc) =	sbr.ind lr, $3  }
0x3a: {  	_ = 	snop  }
0x3b: {  	_ = 	snop  }
0x3c: {  	p2 =	seq.s32 s10, $0x1;
	s10 =	sld [smem:$0x3FB2]  }
0x3d: {  	_ =	shalt  }
0x3e: {  	_ =	shalt  }
0x3f: {  	_ =	shalt  }
0x40: {  	_ =	shalt  }
0x41: {  	_ =	shalt  }
0x42: {  	_ =	shalt  }
0x43: {  	_ =	shalt  }
0x44: {  	_ =	shalt  }
0x45: {  	_ =	shalt  }
0x46: {  	_ =	shalt  }
0x47: {  	_ =	shalt  }
0x48: {  	_ =	shalt  }
0x49: {  	_ =	shalt  }
0x4a: {  	_ =	shalt  }
0x4b: {  	_ =	shalt  }
0x4c: {  	_ =	shalt  }
0x4d: {  	_ =	shalt  }
0x4e: {  	_ =	shalt  }
0x4f: {  	_ =	shalt  }
0x50: {  	_ =	shalt  }
0x51: {  	_ =	shalt  }
0x52: {  	_ =	shalt  }
0x53: {  	_ =	shalt  }
0x54: {  	_ =	shalt  }
0x55: {  	_ =	shalt  }
0x56: {  	_ =	shalt  }
0x57: {  	_ =	shalt  }
0x58: {  	_ =	shalt  }
0x59: {  	_ =	shalt  }
0x5a: {  	_ =	shalt  }
0x5b: {  	_ =	shalt  }
0x5c: {  	_ =	shalt  }
0x5d: {  	_ =	shalt  }
0x5e: {  	_ =	shalt  }
0x5f: {  	_ =	shalt  }
0x60: {  	_ =	shalt  }
0x61: {  	_ =	shalt  }
0x62: {  	_ =	shalt  }
0x63: {  	_ =	shalt  }
0x64: {  	_ =	shalt  }
0x65: {  	_ =	shalt  }
0x66: {  	_ =	shalt  }
0x67: {  	_ =	shalt  }
0x68: {  	_ =	shalt  }
0x69: {  	_ =	shalt  }
0x6a: {  	_ =	shalt  }
0x6b: {  	_ =	shalt  }
0x6c: {  	_ =	shalt  }
0x6d: {  	_ =	shalt  }
0x6e: {  	_ =	shalt  }
0x6f: {  	_ =	shalt  }
0x70: {  	_ =	shalt  }
0x71: {  	_ =	shalt  }
0x72: {  	_ =	shalt  }
0x73: {  	_ =	shalt  }
0x74: {  	_ =	shalt  }
0x75: {  	_ =	shalt  }
0x76: {  	_ =	shalt  }
0x77: {  	_ =	shalt  }
0x78: {  	_ =	shalt  }
0x79: {  	_ =	shalt  }
0x7a: {  	_ =	shalt  }
0x7b: {  	_ =	shalt  }
0x7c: {  	_ =	shalt  }
0x7d: {  	_ =	shalt  }
0x7e: {  	_ =	shalt  }
0x7f: {  	_ =	shalt  }
0x80: {  	_ =	shalt  }
0x81: {  	_ =	shalt  }
0x82: {  	_ =	shalt  }
0x83: {  	_ =	shalt  }
0x84: {  	_ =	shalt  }
0x85: {  	_ =	shalt  }
0x86: {  	_ =	shalt  }
0x87: {  	_ =	shalt  }
.Lfunc_end0:
.L_simem_size_0:
called_computation_lowered:
.L_overlay_start_0:
0x88: {  	s2 =	sld [smem:$0x3FD9]  }
0x89: {  	s3 =	sld [smem:$0x3FFE];
	_ =	sdelay $0x1  }
0x8a: {  	s1 =	srdreg.scid  }
0x8b: {  	s0 =	sand.u32 $0x1, s1  }
0x8c: {  	s17 =	sshll.u32 s0, $0xA;
	s2 =	sadd.s32 s3, s2  }
0x8d: {  	s2 =	sadd.s32 s2, s17  }
0x8e: {  	[smem:$0x3FBE] =	sst s2  }
0x8f: {  	_ = 	snop  }
0x90: {  	s2 =	sld [smem:$0x3FC9];
	(tm) =	ssettm $0x1  }
0x91: {  	s18 =	sld [smem:$0x3FFB];
	_ =	sdelay $0x3  }
0x92: {  	_ =	strace s18  }
0x93: {  	s3 =	sld [smem:$0x3FFC];
	_ =	sdelay $0x3  }
0x94: {  	_ =	strace s3  }
0x95: {  	s3 =	sld [smem:$0x3FFD];
	_ =	sdelay $0x3  }
0x96: {  	_ =	strace s3  }
0x97: {  	_ =	strace $0x8FFFFFFF  }
0x98: {  	s19 =	sld [smem:$0x3FDB];
	_ =	sdelay $0x1  }
0x99: {  	s4 =	simm.s32 $_scs_section_size  }
0x9a: {  	s5 =	simm.s32 $_size__tile_overlayer_lowered;
	s6 =	simm.s32 $_tile_overlayer_lowered  }
0x9b: {  	s22 =	simm.s32 $0x1BFF;
	s21 =	sshll.u32 s6, $0x1;
	s3 =	sadd.s32 s4, s19  }
0x9c: {  	s7 =	simm.s32 $0x0;
	s20 =	sshll.u32 s5, $0x1;
	s5 =	sadd.s32 s21, s3  }
0x9d: {  	[timem:s7], [sflag:s22] =	dma.local [hbm:s5], s20  }
0x9e: {  	_ =	swait.ge [sflag:s22], s20  }
0x9f: {  	s4 =	ssub.s32 $0x0, s20;
	[sflag:s22] =	ssyncset.done $0x0  }
0xa0: {  	[sflag:s22] =	ssyncadd.s32 s4;
	_ =	sdelay $0x1  }
0xa1: {  	s23 =	simm.s32 $0x1B8B  }
0xa2: {  	_ =	swait.ge [sflag:s23], $0x1  }
0xa3: {  	[sflag:s23] =	ssyncset.done $0x0  }
0xa4: {  	s25 =	simm.s32 $0x1B8E;
	s24 =	sld [smem:$0x3FFE];
	[sflag:s23] =	ssyncadd.s32 $0xFFFFFFFF  }
0xa5: {  	s26 =	simm.s32 $execute0_lowered;
	[smem:$0x3FD2] =	sst s25  }
0xa6: {  	s5 =	sshll.u32 s26, $0x1;
	_ =	strace $0x80000046;
	[dreg:$0x1] =	wrdreg $0xFFFFFFFF  }
0xa7: {  	s28 =	simm.s32 $_size_execute0_lowered;
	s3 =	sadd.s32 s3, s5;
	[dreg:$0x0] =	wrdreg $0x0  }
0xa8: {  	s5 =	sshll.u32 s28, $0x1;
	[dreg:$0x2] =	wrdreg s3  }
0xa9: {  	[dreg:$0x3] =	wrdreg s5  }
0xaa: {  	[dreg:$0x4] =	wrdreg $0xC0  }
0xab: {  	_ =	task [dreg:s7], $0x5FFFF  }
0xac: {  	[dreg:$0x1] =	wrdreg $0xFFFFFFFF  }
0xad: {  	[dreg:$0x0] =	wrdreg $0x60  }
0xae: {  	[dreg:$0x2] =	wrdreg s2  }
0xaf: {  	[dreg:$0x3] =	wrdreg s24  }
0xb0: {  	[dreg:$0x4] =	wrdreg $0x0  }
0xb1: {  	[dreg:$0x5] =	wrdreg $0x9  }
0xb2: {  	_ =	task.clear_ibuf [dreg:s7], $0x6FFFF;
	_ =	strace $0x90000046  }
0xb3: {  	s29 =	simm.s32 $0x9;
	_ =	strace $0x80000048  }
0xb4: {  	_ =	swait.ge [sflag:s29], $0x1  }
0xb5: {  	[sflag:s29] =	ssyncadd.s32 $0xFFFFFFFF  }
0xb6: {  	_ =	strace $0x90000048  }
0xb7: {  	_ =	sfence  }
0xb8: {  	s30 =	sld [smem:$0x0];
	_ =	sdelay $0x2  }
0xb9: {  	s31 =	sshll.u32 s1, $0xD;
	s1 =	sshrl.u32 s1, $0x2  }
0xba: {  	s3 =	sand.u32 $0x4000, s31;
	s1 =	sadd.s32 s1, s30  }
0xbb: {  	s0 =	sor.u32 s3, s0;
	s1 =	sshll.u32 s1, $0x11  }
0xbc: {  	s0 =	sor.u32 s1, s0  }
0xbd: {  	s0 =	sadd.s32 $0x8F2B, s0  }
0xbe: {  	[sflag:s0] =	ssyncadd.remote.s32 $0x1  }
0xbf: {  	_ =	sfence.sel $0xFFFF  }
0xc0: {  	[dreg:$0x0] =	wrdreg $0xFFFFFFFF;
	(pc) =	sbr.abs _section_cstart, $3  }
0xc1: {  	[dreg:$0x1] =	wrdreg $0xFFFFFFFF  }
0xc2: {  	_ =	task.clear_ibuf [dreg:s7], $0x2FFFF;
	_ =	strace $0x9FFFFFFF  }
0xc3: {  	(tm) =	ssettm $0x7FFFFFFF  }
tec
execute0_lowered:
.L_overlay_start_1:
0x0: {  	(tag) =	ssettag $0x1  }
0x1: {  	s0 =	rddreg [dreg:$0x0]  }
0x2: {  	s1 =	srdreg.scid;
	s4 =	rddreg [dreg:$0x1]  }
0x3: {  	s15 =	stileid.u32;
	s2 =	rddreg [dreg:$0x2]  }
0x4: {  	s3 =	simm.s32 $0x0;
	s13 =	simm.s32 $0x16000;
	s14 =	simm.s32 $0x50  }
0x5: {  	s19 =	simm.s32 $0x1C800;
	s20 =	simm.s32 $0x1;
	s21 =	simm.s32 $0x2  }
0x6: {  	s22 =	simm.s32 $0x19E00;
	s23 =	simm.s32 $0x0;
	s5 =	sand.u32 $0x1, s1  }
0x7: {  	s26 =	sshll.u32 s15, $0x1;
	s1 =	rddreg [dreg:$0x3];
	s9 =	smul.u32 $0x4E000, s15  }
0x8: {  	[smem:$0x7FF] =	sst s3;
	s11 =	smul.u32 $0x13800, s15;
	s12 =	sadd.s32 $0x1BE00, s4  }
0x9: {  	s18 =	sadd.s32 $0x138000, s2;
	p0 =	sne.s32 s15, $0x0;
	s16 =	sshll.u32 s15, $0x6  }
0xa: {  	s15 =	simm.s32 $0x1A000;
	s6 =	sor.u32 s5, s26;
	_ =	strace $0x80000047  }
0xb: {  	s8 =	ssub.s32 $0x2, s5;
	s30 =	smul.u32 $0x138800, s5;
	s16 =	sor.u32 $0x1C03, s16  }
0xc: {  	s18 =	sshrl.u32 @!p0 s18, $0x3;
	s7 =	smul.u32 $0x4E2, s6;
	s6 =	sshll.u32 s6, $0xB  }
0xd: {  	s10 =	sshrl.u32 s8, $0x1;
	s28 =	sshrl.u32 s9, $0x2;
	s29 =	sshrl.u32 s11, $0x3  }
0xe: {  	s6 =	sadd.s32 s6, s4;
	s10 =	ssub.s32 s8, s10;
	s17 =	sadd.s32 s28, s2  }
0xf: {  	s31 =	sadd.s32 s11, s30;
	s9 =	sshrl.u32 s30, $0x3;
	s11 =	simm.s32 $0x13880  }
0x10: {  	s7 =	sadd.s32 s7, s4;
	s5 =	sadd.s32 $0xBE00, s6;
	s6 =	sadd.s32 s0, s29  }
0x11: {  	s8 =	sshrl.u32 s31, $0x3;
	s9 =	sadd.s32 s12, s9;
	s10 =	smax.u32 s10, $0x1  }
0x12: {  	s17 =	sshrl.u32 s17, $0x3;
	s4 =	sadd.s32 $0x2000, s7;
	s7 =	sadd.s32 $0x27000, s0  }
0x13: {  	s8 =	sadd.s32 s12, s8;
	s9 =	sadd.s32 $0x27000, s9;
	s12 =	simm.s32 $0x3  }
.LBB2_1:
0x14: {  	[tilespmem:s11], [sflag:$0x3] =	stream.linear.gather [hbm4b:s4+s3], $0x2710, $0x38;
	[tilespmem:$0x1F000] =	vst v63  }
0x15: {  	_ =	swait.ge [sflag:s12], $0x2710  }
0x16: {  	[sflag:s12] =	ssyncset.done $0x0  }
0x17: {  	[sflag:s12] =	ssyncadd.s32 $0xFFFFD8F0  }
0x18: {  	[tilespmem:s13], [sflag:$0x3] =	stream.linear.gather [hbm4b:s5+s3], $0x3E80, $0x38;
	[tilespmem:$0x1F000] =	vst v63  }
0x19: {  	_ =	swait.ge [sflag:s12], $0x3E80  }
0x1a: {  	[sflag:s12] =	ssyncset.done $0x0  }
0x1b: {  	[sflag:s12] =	ssyncadd.s32 $0xFFFFC180  }
0x1c: {  	[tilespmem:s15], [sflag:$0x1] =	stream.indirect.gather [hbm4b:s0+s14], $0x80, s11, s14, $0xb8;
	[tilespmem:$0x1F000] =	vst v63  }
0x1d: {  	[spmem:s17], [sflag:s16] =	dma.local [hbm:s6], $0x2700  }
0x1e: {  	_ =	swait.ge [sflag:s12], $0x2700  }
0x1f: {  	[sflag:s12] =	ssyncset.done $0x0  }
0x20: {  	s24 =	simm.s32 @!p0 $0x3;
	[sflag:s12] =	ssyncadd.s32 $0xFFFFD900  }
0x21: {  	[spmem:s18], [sflag:s16] =	dma.local @!p0 [hbm:s7], $0x100  }
0x22: {  	_ =	swait.ge @!p0 [sflag:s24], $0x100  }
0x23: {  	[sflag:s24] =	ssyncset.done @!p0 $0x0  }
0x24: {  	[sflag:s24] =	ssyncadd.s32 @!p0 $0xFFFFFF00  }
0x25: {  	s28 =	simm.s32 $0x138D0;
	[bflag:$0x0] =	sbarrier.arrive $0xFFFF  }
0x26: {  	[tilespmem:s19], [sflag:$0x2] =	stream.indirect.gather [hbm4b:s0+s14], $0x80, s28, s14, $0xb8;
	[tilespmem:$0x1F000] =	vst v63  }
0x27: {  	_ =	swait.ge [sflag:s20], $0x2800  }
0x28: {  	[sflag:s20] =	ssyncset.done $0x0  }
0x29: {  	s29 =	simm.s32 $0x16000;
	[sflag:s20] =	ssyncadd.s32 $0xFFFFD800  }
0x2a: {  	[spmem:s2] =	stream.indirect.scatter.add.f32 [tilespmem:s15], [sflag:$0x3], $0x80, s29, s14, $0xb8;
	[tilespmem:$0x1F000] =	vst v63  }
0x2b: {  	_ =	swait.ge [sflag:s12], $0x2800  }
0x2c: {  	[sflag:s12] =	ssyncset.done $0x0  }
0x2d: {  	s30 =	simm.s32 $0x13920;
	[sflag:s12] =	ssyncadd.s32 $0xFFFFD800  }
0x2e: {  	[tilespmem:s15], [sflag:$0x1] =	stream.indirect.gather [hbm4b:s0+s14], $0x80, s30, s14, $0xb8;
	[tilespmem:$0x1F000] =	vst v63  }
0x2f: {  	_ =	swait.ge [sflag:s21], $0x2800  }
0x30: {  	[sflag:s21] =	ssyncset.done $0x0  }
0x31: {  	s31 =	simm.s32 $0x16080;
	[sflag:s21] =	ssyncadd.s32 $0xFFFFD800  }
0x32: {  	[spmem:s2] =	stream.indirect.scatter.add.f32 [tilespmem:s19], [sflag:$0x3], $0x80, s31, s14, $0xb8;
	[tilespmem:$0x1F000] =	vst v63  }
0x33: {  	s25 =	simm.s32 $0x400;
	_ =	swait.ge [sflag:s12], $0x2800  }
0x34: {  	s26 =	simm.s32 $0x800;
	s24 =	simm.s32 $0x139C0;
	[sflag:s12] =	ssyncset.done $0x0  }
.LBB2_2:
0x35: {  	p1 =	sne.s32 s26, $0xF400;
	s28 =	sadd.s32 $0xFFFFFFB0, s24;
	[sflag:s12] =	ssyncadd.s32 $0xFFFFD800  }
0x36: {  	[tilespmem:s19], [sflag:$0x2] =	stream.indirect.gather [hbm4b:s0+s14], $0x80, s28, s14, $0xb8;
	[tilespmem:$0x1F000] =	vst v63  }
0x37: {  	s28 =	smov.u32 s26;
	s26 =	sadd.s32 $0x400, s26;
	_ =	swait.ge [sflag:s20], $0x2800  }
0x38: {  	s29 =	sshra.s32 s25, $0x2;
	s25 =	smov.u32 s28;
	[sflag:s20] =	ssyncset.done $0x0  }
0x39: {  	s28 =	sadd.s32 $0x16000, s29;
	[sflag:s20] =	ssyncadd.s32 $0xFFFFD800  }
0x3a: {  	[spmem:s2] =	stream.indirect.scatter.add.f32 [tilespmem:s15], [sflag:$0x3], $0x80, s28, s14, $0xb8;
	[tilespmem:$0x1F000] =	vst v63  }
0x3b: {  	_ =	swait.ge [sflag:s12], $0x2800  }
0x3c: {  	[sflag:s12] =	ssyncset.done $0x0  }
0x3d: {  	[sflag:s12] =	ssyncadd.s32 $0xFFFFD800  }
0x3e: {  	[tilespmem:s15], [sflag:$0x1] =	stream.indirect.gather [hbm4b:s0+s14], $0x80, s24, s14, $0xb8;
	[tilespmem:$0x1F000] =	vst v63  }
0x3f: {  	_ =	swait.ge [sflag:s21], $0x2800  }
.Ltmp0:
0x40: {  	[sflag:s21] =	ssyncset.done $0x0;
	(pc) =	sbr.rel @p1 .LBB2_2-.Ltmp0, $4  }
0x41: {  	s28 =	sadd.s32 $0x16080, s29;
	[sflag:s21] =	ssyncadd.s32 $0xFFFFD800  }
0x42: {  	[spmem:s2] =	stream.indirect.scatter.add.f32 [tilespmem:s19], [sflag:$0x3], $0x80, s28, s14, $0xb8;
	[tilespmem:$0x1F000] =	vst v63  }
0x43: {  	_ =	swait.ge [sflag:s12], $0x2800  }
0x44: {  	s24 =	sadd.s32 $0xA0, s24;
	[sflag:s12] =	ssyncset.done $0x0  }
0x45: {  	s26 =	sadd.s32 $0xFFFFFFB0, s24;
	[sflag:s12] =	ssyncadd.s32 $0xFFFFD800  }
0x46: {  	[tilespmem:s19], [sflag:$0x2] =	stream.indirect.gather [hbm4b:s0+s14], $0x80, s26, s14, $0xb8;
	[tilespmem:$0x1F000] =	vst v63  }
0x47: {  	_ =	swait.ge [sflag:s20], $0x2800  }
0x48: {  	s25 =	sshra.s32 s25, $0x2;
	[sflag:s20] =	ssyncset.done $0x0  }
0x49: {  	s30 =	sadd.s32 $0x16000, s25;
	[sflag:s20] =	ssyncadd.s32 $0xFFFFD800  }
0x4a: {  	[spmem:s2] =	stream.indirect.scatter.add.f32 [tilespmem:s15], [sflag:$0x3], $0x80, s30, s14, $0xb8;
	[tilespmem:$0x1F000] =	vst v63  }
0x4b: {  	_ =	swait.ge [sflag:s12], $0x2800  }
0x4c: {  	[sflag:s12] =	ssyncset.done $0x0  }
0x4d: {  	[sflag:s12] =	ssyncadd.s32 $0xFFFFD800  }
0x4e: {  	[tilespmem:s15], [sflag:$0x1] =	stream.indirect.gather [hbm4b:s0+s14], $0x80, s24, s14, $0xb8;
	[tilespmem:$0x1F000] =	vst v63  }
0x4f: {  	_ =	swait.ge [sflag:s21], $0x2800  }
0x50: {  	[sflag:s21] =	ssyncset.done $0x0  }
0x51: {  	s31 =	sadd.s32 $0x16080, s25;
	[sflag:s21] =	ssyncadd.s32 $0xFFFFD800  }
0x52: {  	[spmem:s2] =	stream.indirect.scatter.add.f32 [tilespmem:s19], [sflag:$0x3], $0x80, s31, s14, $0xb8;
	[tilespmem:$0x1F000] =	vst v63  }
0x53: {  	_ =	swait.ge [sflag:s12], $0x2800  }
0x54: {  	[sflag:s12] =	ssyncset.done $0x0  }
0x55: {  	[sflag:s12] =	ssyncadd.s32 $0xFFFFD800  }
0x56: {  	_ =	swait.ge [sflag:s20], $0x2800  }
0x57: {  	[sflag:s20] =	ssyncset.done $0x0  }
0x58: {  	[sflag:s20] =	ssyncadd.s32 $0xFFFFD800  }
0x59: {  	[spmem:s2] =	stream.indirect.scatter.add.f32 [tilespmem:s15], [sflag:$0x3], $0x80, s22, s14, $0xb8;
	[tilespmem:$0x1F000] =	vst v63  }
0x5a: {  	_ =	swait.ge [sflag:s12], $0x2800  }
0x5b: {  	[sflag:s12] =	ssyncset.done $0x0  }
0x5c: {  	[sflag:s12] =	ssyncadd.s32 $0xFFFFD800  }
0x5d: {  	[bflag:$0x0] =	sbarrier.arrive $0xFFFF  }
0x5e: {  	[hbm:s8], [sflag:s16] =	dma.local [spmem:s17], $0x2700  }
0x5f: {  	s23 =	sadd.s32 $0x1, s23;
	_ =	swait.ge [sflag:s12], $0x2700  }
0x60: {  	p1 =	sne.s32 s23, s10;
	[sflag:s12] =	ssyncset.done $0x0  }
.Ltmp1:
0x61: {  	s24 =	simm.s32 @!p0 $0x3;
	[sflag:s12] =	ssyncadd.s32 $0xFFFFD900;
	(pc) =	sbr.rel @p1 .LBB2_1-.Ltmp1, $4  }
0x62: {  	[hbm:s9], [sflag:s16] =	dma.local @!p0 [spmem:s18], $0x100  }
0x63: {  	_ =	swait.ge @!p0 [sflag:s24], $0x100  }
0x64: {  	[sflag:s24] =	ssyncset.done @!p0 $0x0  }
0x65: {  	[sflag:s24] =	ssyncadd.s32 @!p0 $0xFFFFFF00  }
0x66: {  	_ =	sfence.sel $0x180000  }
0x67: {  	[bflag:$0x0] =	sbarrier.arrive $0xFFFF  }
0x68: {  	_ =	strace $0x90000047  }
0x69: {  	s0 =	sadd.s32 @!p0 $0x100000, s1;
	[bflag:$0x2] =	sbarrier.arrive $0xFFFF  }
0x6a: {  	[sflag:s0] =	ssyncadd.tile.s32 @!p0 $0x1;
	_ =	shalt  }
.Lfunc_end2:
_tile_overlayer_lowered:
.L_overlay_start_2:
0x6b: {  	(tag) =	ssettag $0x2  }
0x6c: {  	s0 =	rddreg [dreg:$0x0];
	s2 =	stileid.u32  }
0x6d: {  	s1 =	rddreg [dreg:$0x1];
	p0 =	sne.s32 s2, $0x0  }
0x6e: {  	s3 =	rddreg [dreg:$0x2];
	[bflag:$0x3] =	sbarrier.arrive $0xFFFF;
	s2 =	simm.s32 @!p0 $0x1C03  }
0x6f: {  	[timem:s3], [sflag:s2] =	dma.local @!p0 [hbm:s0], s1  }
0x70: {  	s0 =	simm.s32 @!p0 $0x3  }
0x71: {  	_ =	swait.ge @!p0 [sflag:s0], s1  }
0x72: {  	s1 =	ssub.s32 @!p0 $0x0, s1;
	[sflag:s0] =	ssyncset.done @!p0 $0x0  }
0x73: {  	[sflag:s0] =	ssyncadd.s32 @!p0 s1  }
0x74: {  	[bflag:$0x3] =	sbarrier.arrive $0xFFFF  }
0x75: {  	_ =	shalt  }

// kernel: kernel.9.cloned.1.call-start
scs
__scs_entry_jumppad:
0x0: {  	(pc) =	sbr.rel $0x88, $3  }
0x1: {  	(tag) =	ssettag $0x0;
	lr =	simm.s32 $0x1  }
0x2: {  	[smem:$0x3F97] =	sst lr;
	_ =	strace $0xD0000000  }
0x3: {  	_ = 	snop  }
0x4: {  	_ = 	snop  }
0x5: {  	_ = 	snop  }
0x6: {  	_ = 	snop  }
0x7: {  	_ = 	snop  }
__scs_overlays_trampoline_lowered:
0x8: {  	[smem:$0x3FA6] =	sst s0  }
0x9: {  	[smem:$0x3FA7] =	sst s1  }
0xa: {  	[smem:$0x3FA8] =	sst s2  }
0xb: {  	[smem:$0x3FA9] =	sst s3  }
0xc: {  	[smem:$0x3FAA] =	sst s4  }
0xd: {  	[smem:$0x3FAB] =	sst s5  }
0xe: {  	[smem:$0x3FAC] =	sst s6  }
0xf: {  	[smem:$0x3FAD] =	sst s7  }
0x10: {  	[smem:$0x3FAE] =	sst s8  }
0x11: {  	[smem:$0x3FAF] =	sst s9;
	s0 =	simm.s32 @!p0 $0x0  }
0x12: {  	s1 =	sld [smem:$0x3F95];
	s0 =	simm.s32 @p0 $0x1  }
0x13: {  	[smem:$0x3FB0] =	sst s0;
	s0 =	simm.s32 @!p1 $0x0  }
0x14: {  	s2 =	sld [smem:$0x3F94];
	s0 =	simm.s32 @p1 $0x1  }
0x15: {  	[smem:$0x3FB1] =	sst s0;
	s0 =	simm.s32 @!p2 $0x0  }
0x16: {  	s3 =	sld [smem:$0x3FDB];
	s0 =	simm.s32 @p2 $0x1  }
0x17: {  	s4 =	simm.s32 $0x1BF5;
	[smem:$0x3FB3] =	sst s0  }
0x18: {  	s0 =	sld [smem:$0x3F96];
	_ =	swait.ge [sflag:s4], $0x0  }
0x19: {  	s7 =	sld [smem:$0x3F97]  }
0x1a: {  	s8 =	sadd.s32 $0xFFFFE003, lr  }
0x1b: {  	s9 =	sadd.s32 $0xFFFFFEF7, lr;
	s5 =	simm.s32 $0xFFFFFFFF;
	p2 =	slt.u32 s8, $0xFFFFF086  }
0x1c: {  	p1 =	slt.u32 s9, $0xF7A;
	s5 =	simm.s32 @!p2 $0x0  }
0x1d: {  	s5 =	simm.s32 @p1 $0x1;
	p0 =	seq.s32 s7, s2  }
0x1e: {  	s7 =	smul.u32 @!p0 $0xF7A, s2;
	p2 =	seq.s32 @!p0 s5, $0x0  }
0x1f: {  	s9 =	smul.u32 $0xF7A, s1;
	s8 =	simm.s32 @!p0 $0x1BF5;
	p2 =	por !p2, p0  }
0x20: {  	[sflag:s8] =	ssyncset.s32 @!p0 $0xFFFFF086;
	s6 =	sadd.s32 @!p0 s3, s7;
	s7 =	simm.s32 @!p0 $0x108  }
0x21: {  	s3 =	sadd.s32 s3, s9;
	s6 =	sadd.s32 @!p0 $0x88, s6;
	s7 =	simm.s32 @p2 $0x1082  }
0x22: {  	[simem:s7], [sflag:s8] =	dma.local @!p0 [hbm:s6], $0xF7A  }
0x23: {  	s9 =	sor.u32 $0xD0000000, s2;
	s6 =	simm.s32 $0x108;
	_ =	swait.ge @!p0 [sflag:s8], $0x0  }
0x24: {  	s3 =	sadd.s32 $0x88, s3;
	s6 =	simm.s32 @!p1 $0x1082;
	[sflag:s4] =	ssyncset.s32 $0xFFFFF086  }
0x25: {  	[simem:s6], [sflag:s4] =	dma.local [hbm:s3], $0xF7A  }
0x26: {  	[smem:$0x3F97] =	sst s1;
	(tag) =	ssettag s2;
	_ =	strace s9  }
0x27: {  	s1 =	sld [smem:$0x3FA7]  }
0x28: {  	s2 =	sld [smem:$0x3FA8]  }
0x29: {  	s4 =	sld [smem:$0x3FAA]  }
0x2a: {  	p0 =	seq.s32 s5, $0x0;
	s5 =	sld [smem:$0x3FAB]  }
0x2b: {  	s6 =	sld [smem:$0x3FAC]  }
0x2c: {  	s7 =	sld [smem:$0x3FAD]  }
0x2d: {  	s3 =	simm.s32 $0x108;
	s8 =	sld [smem:$0x3FAE]  }
0x2e: {  	s3 =	simm.s32 @!p0 $0x1082;
	s9 =	sld [smem:$0x3FAF]  }
0x2f: {  	lr =	sadd.s32 s0, s3;
	s0 =	sld [smem:$0x3FA6]  }
0x30: {  	s3 =	sld [smem:$0x3FA9]  }
0x31: {  	[smem:$0x3FB2] =	sst s10  }
0x32: {  	s10 =	sld [smem:$0x3FB0];
	_ =	sdelay $0x3  }
0x33: {  	p0 =	seq.s32 s10, $0x1;
	s10 =	sld [smem:$0x3FB2];
	_ =	sdelay $0x3  }
0x34: {  	[smem:$0x3FB2] =	sst s10  }
0x35: {  	s10 =	sld [smem:$0x3FB1];
	_ =	sdelay $0x3  }
0x36: {  	p1 =	seq.s32 s10, $0x1;
	s10 =	sld [smem:$0x3FB2];
	_ =	sdelay $0x3  }
0x37: {  	[smem:$0x3FB2] =	sst s10  }
0x38: {  	s10 =	sld [smem:$0x3FB3]  }
0x39: {  	_ = 	snop;
	(pc) =	sbr.ind lr, $3  }
0x3a: {  	_ = 	snop  }
0x3b: {  	_ = 	snop  }
0x3c: {  	p2 =	seq.s32 s10, $0x1;
	s10 =	sld [smem:$0x3FB2]  }
0x3d: {  	_ =	shalt  }
0x3e: {  	_ =	shalt  }
0x3f: {  	_ =	shalt  }
0x40: {  	_ =	shalt  }
0x41: {  	_ =	shalt  }
0x42: {  	_ =	shalt  }
0x43: {  	_ =	shalt  }
0x44: {  	_ =	shalt  }
0x45: {  	_ =	shalt  }
0x46: {  	_ =	shalt  }
0x47: {  	_ =	shalt  }
0x48: {  	_ =	shalt  }
0x49: {  	_ =	shalt  }
0x4a: {  	_ =	shalt  }
0x4b: {  	_ =	shalt  }
0x4c: {  	_ =	shalt  }
0x4d: {  	_ =	shalt  }
0x4e: {  	_ =	shalt  }
0x4f: {  	_ =	shalt  }
0x50: {  	_ =	shalt  }
0x51: {  	_ =	shalt  }
0x52: {  	_ =	shalt  }
0x53: {  	_ =	shalt  }
0x54: {  	_ =	shalt  }
0x55: {  	_ =	shalt  }
0x56: {  	_ =	shalt  }
0x57: {  	_ =	shalt  }
0x58: {  	_ =	shalt  }
0x59: {  	_ =	shalt  }
0x5a: {  	_ =	shalt  }
0x5b: {  	_ =	shalt  }
0x5c: {  	_ =	shalt  }
0x5d: {  	_ =	shalt  }
0x5e: {  	_ =	shalt  }
0x5f: {  	_ =	shalt  }
0x60: {  	_ =	shalt  }
0x61: {  	_ =	shalt  }
0x62: {  	_ =	shalt  }
0x63: {  	_ =	shalt  }
0x64: {  	_ =	shalt  }
0x65: {  	_ =	shalt  }
0x66: {  	_ =	shalt  }
0x67: {  	_ =	shalt  }
0x68: {  	_ =	shalt  }
0x69: {  	_ =	shalt  }
0x6a: {  	_ =	shalt  }
0x6b: {  	_ =	shalt  }
0x6c: {  	_ =	shalt  }
0x6d: {  	_ =	shalt  }
0x6e: {  	_ =	shalt  }
0x6f: {  	_ =	shalt  }
0x70: {  	_ =	shalt  }
0x71: {  	_ =	shalt  }
0x72: {  	_ =	shalt  }
0x73: {  	_ =	shalt  }
0x74: {  	_ =	shalt  }
0x75: {  	_ =	shalt  }
0x76: {  	_ =	shalt  }
0x77: {  	_ =	shalt  }
0x78: {  	_ =	shalt  }
0x79: {  	_ =	shalt  }
0x7a: {  	_ =	shalt  }
0x7b: {  	_ =	shalt  }
0x7c: {  	_ =	shalt  }
0x7d: {  	_ =	shalt  }
0x7e: {  	_ =	shalt  }
0x7f: {  	_ =	shalt  }
0x80: {  	_ =	shalt  }
0x81: {  	_ =	shalt  }
0x82: {  	_ =	shalt  }
0x83: {  	_ =	shalt  }
0x84: {  	_ =	shalt  }
0x85: {  	_ =	shalt  }
0x86: {  	_ =	shalt  }
0x87: {  	_ =	shalt  }
.Lfunc_end0:
.L_simem_size_0:
called_computation.1_lowered:
.L_overlay_start_0:
0x88: {  	s2 =	sld [smem:$0x3FD9]  }
0x89: {  	s3 =	sld [smem:$0x3FFE];
	_ =	sdelay $0x1  }
0x8a: {  	s1 =	srdreg.scid  }
0x8b: {  	s0 =	sand.u32 $0x1, s1  }
0x8c: {  	s17 =	sshll.u32 s0, $0xA;
	s2 =	sadd.s32 s3, s2  }
0x8d: {  	s2 =	sadd.s32 s2, s17  }
0x8e: {  	[smem:$0x3FBE] =	sst s2  }
0x8f: {  	_ = 	snop  }
0x90: {  	s2 =	sld [smem:$0x3FD0];
	(tm) =	ssettm $0x1  }
0x91: {  	s18 =	sld [smem:$0x3FFB];
	_ =	sdelay $0x3  }
0x92: {  	_ =	strace s18  }
0x93: {  	s3 =	sld [smem:$0x3FFC];
	_ =	sdelay $0x3  }
0x94: {  	_ =	strace s3  }
0x95: {  	s3 =	sld [smem:$0x3FFD];
	_ =	sdelay $0x3  }
0x96: {  	_ =	strace s3  }
0x97: {  	_ =	strace $0x8FFFFFFF  }
0x98: {  	s19 =	sld [smem:$0x3FDB];
	_ =	sdelay $0x1  }
0x99: {  	s4 =	simm.s32 $_scs_section_size  }
0x9a: {  	s5 =	simm.s32 $_size__tile_overlayer_lowered;
	s6 =	simm.s32 $_tile_overlayer_lowered  }
0x9b: {  	s22 =	simm.s32 $0x1BFF;
	s21 =	sshll.u32 s6, $0x1;
	s3 =	sadd.s32 s4, s19  }
0x9c: {  	s7 =	simm.s32 $0x0;
	s20 =	sshll.u32 s5, $0x1;
	s5 =	sadd.s32 s21, s3  }
0x9d: {  	[timem:s7], [sflag:s22] =	dma.local [hbm:s5], s20  }
0x9e: {  	_ =	swait.ge [sflag:s22], s20  }
0x9f: {  	s4 =	ssub.s32 $0x0, s20;
	[sflag:s22] =	ssyncset.done $0x0  }
0xa0: {  	[sflag:s22] =	ssyncadd.s32 s4;
	_ =	sdelay $0x1  }
0xa1: {  	s23 =	simm.s32 $0x1B8B  }
0xa2: {  	_ =	swait.ge [sflag:s23], $0x1  }
0xa3: {  	[sflag:s23] =	ssyncset.done $0x0  }
0xa4: {  	s25 =	simm.s32 $0x1B8E;
	s24 =	sld [smem:$0x3FFE];
	[sflag:s23] =	ssyncadd.s32 $0xFFFFFFFF  }
0xa5: {  	s26 =	simm.s32 $execute0_lowered;
	[smem:$0x3FD2] =	sst s25  }
0xa6: {  	s5 =	sshll.u32 s26, $0x1;
	_ =	strace $0x80000049;
	[dreg:$0x1] =	wrdreg $0xFFFFFFFF  }
0xa7: {  	s28 =	simm.s32 $_size_execute0_lowered;
	s3 =	sadd.s32 s3, s5;
	[dreg:$0x0] =	wrdreg $0x0  }
0xa8: {  	s5 =	sshll.u32 s28, $0x1;
	[dreg:$0x2] =	wrdreg s3  }
0xa9: {  	[dreg:$0x3] =	wrdreg s5  }
0xaa: {  	[dreg:$0x4] =	wrdreg $0xC0  }
0xab: {  	_ =	task [dreg:s7], $0x5FFFF  }
0xac: {  	[dreg:$0x1] =	wrdreg $0xFFFFFFFF  }
0xad: {  	[dreg:$0x0] =	wrdreg $0x60  }
0xae: {  	[dreg:$0x2] =	wrdreg s2  }
0xaf: {  	[dreg:$0x3] =	wrdreg s24  }
0xb0: {  	[dreg:$0x4] =	wrdreg $0x0  }
0xb1: {  	[dreg:$0x5] =	wrdreg $0x9  }
0xb2: {  	_ =	task.clear_ibuf [dreg:s7], $0x6FFFF;
	_ =	strace $0x90000049  }
0xb3: {  	s29 =	simm.s32 $0x9;
	_ =	strace $0x8000004B  }
0xb4: {  	_ =	swait.ge [sflag:s29], $0x1  }
0xb5: {  	[sflag:s29] =	ssyncadd.s32 $0xFFFFFFFF  }
0xb6: {  	_ =	strace $0x9000004B  }
0xb7: {  	_ =	sfence  }
0xb8: {  	s30 =	sld [smem:$0x0];
	_ =	sdelay $0x2  }
0xb9: {  	s31 =	sshll.u32 s1, $0xD;
	s1 =	sshrl.u32 s1, $0x2  }
0xba: {  	s3 =	sand.u32 $0x4000, s31;
	s1 =	sadd.s32 s1, s30  }
0xbb: {  	s0 =	sor.u32 s3, s0;
	s1 =	sshll.u32 s1, $0x11  }
0xbc: {  	s0 =	sor.u32 s1, s0  }
0xbd: {  	s0 =	sadd.s32 $0x8F2B, s0  }
0xbe: {  	[sflag:s0] =	ssyncadd.remote.s32 $0x1  }
0xbf: {  	_ =	sfence.sel $0xFFFF  }
0xc0: {  	[dreg:$0x0] =	wrdreg $0xFFFFFFFF;
	(pc) =	sbr.abs _section_cstart, $3  }
0xc1: {  	[dreg:$0x1] =	wrdreg $0xFFFFFFFF  }
0xc2: {  	_ =	task.clear_ibuf [dreg:s7], $0x2FFFF;
	_ =	strace $0x9FFFFFFF  }
0xc3: {  	(tm) =	ssettm $0x7FFFFFFF  }
tec
execute0_lowered:
.L_overlay_start_1:
0x0: {  	(tag) =	ssettag $0x1  }
0x1: {  	s0 =	rddreg [dreg:$0x0]  }
0x2: {  	s1 =	srdreg.scid;
	s4 =	rddreg [dreg:$0x1]  }
0x3: {  	s15 =	stileid.u32;
	s2 =	rddreg [dreg:$0x2]  }
0x4: {  	s3 =	simm.s32 $0x0;
	s13 =	simm.s32 $0x16000;
	s14 =	simm.s32 $0x50  }
0x5: {  	s19 =	simm.s32 $0x1C800;
	s20 =	simm.s32 $0x1;
	s21 =	simm.s32 $0x2  }
0x6: {  	s22 =	simm.s32 $0x19E00;
	s23 =	simm.s32 $0x0;
	s5 =	sand.u32 $0x1, s1  }
0x7: {  	s26 =	sshll.u32 s15, $0x1;
	s1 =	rddreg [dreg:$0x3];
	s9 =	smul.u32 $0x4E000, s15  }
0x8: {  	[smem:$0x7FF] =	sst s3;
	s11 =	smul.u32 $0x13800, s15;
	s12 =	sadd.s32 $0x1BE00, s4  }
0x9: {  	s18 =	sadd.s32 $0x138000, s2;
	p0 =	sne.s32 s15, $0x0;
	s16 =	sshll.u32 s15, $0x6  }
0xa: {  	s15 =	simm.s32 $0x1A000;
	s6 =	sor.u32 s5, s26;
	_ =	strace $0x8000004A  }
0xb: {  	s8 =	ssub.s32 $0x2, s5;
	s30 =	smul.u32 $0x138800, s5;
	s16 =	sor.u32 $0x1C03, s16  }
0xc: {  	s18 =	sshrl.u32 @!p0 s18, $0x3;
	s7 =	smul.u32 $0x4E2, s6;
	s6 =	sshll.u32 s6, $0xB  }
0xd: {  	s10 =	sshrl.u32 s8, $0x1;
	s28 =	sshrl.u32 s9, $0x2;
	s29 =	sshrl.u32 s11, $0x3  }
0xe: {  	s6 =	sadd.s32 s6, s4;
	s10 =	ssub.s32 s8, s10;
	s17 =	sadd.s32 s28, s2  }
0xf: {  	s31 =	sadd.s32 s11, s30;
	s9 =	sshrl.u32 s30, $0x3;
	s11 =	simm.s32 $0x13880  }
0x10: {  	s7 =	sadd.s32 s7, s4;
	s5 =	sadd.s32 $0xBE00, s6;
	s6 =	sadd.s32 s0, s29  }
0x11: {  	s8 =	sshrl.u32 s31, $0x3;
	s9 =	sadd.s32 s12, s9;
	s10 =	smax.u32 s10, $0x1  }
0x12: {  	s17 =	sshrl.u32 s17, $0x3;
	s4 =	sadd.s32 $0x2000, s7;
	s7 =	sadd.s32 $0x27000, s0  }
0x13: {  	s8 =	sadd.s32 s12, s8;
	s9 =	sadd.s32 $0x27000, s9;
	s12 =	simm.s32 $0x3  }
.LBB2_1:
0x14: {  	[tilespmem:s11], [sflag:$0x3] =	stream.linear.gather [hbm4b:s4+s3], $0x2710, $0x38;
	[tilespmem:$0x1F000] =	vst v63  }
0x15: {  	_ =	swait.ge [sflag:s12], $0x2710  }
0x16: {  	[sflag:s12] =	ssyncset.done $0x0  }
0x17: {  	[sflag:s12] =	ssyncadd.s32 $0xFFFFD8F0  }
0x18: {  	[tilespmem:s13], [sflag:$0x3] =	stream.linear.gather [hbm4b:s5+s3], $0x3E80, $0x38;
	[tilespmem:$0x1F000] =	vst v63  }
0x19: {  	_ =	swait.ge [sflag:s12], $0x3E80  }
0x1a: {  	[sflag:s12] =	ssyncset.done $0x0  }
0x1b: {  	[sflag:s12] =	ssyncadd.s32 $0xFFFFC180  }
0x1c: {  	[tilespmem:s15], [sflag:$0x1] =	stream.indirect.gather [hbm4b:s0+s14], $0x80, s11, s14, $0xb8;
	[tilespmem:$0x1F000] =	vst v63  }
0x1d: {  	[spmem:s17], [sflag:s16] =	dma.local [hbm:s6], $0x2700  }
0x1e: {  	_ =	swait.ge [sflag:s12], $0x2700  }
0x1f: {  	[sflag:s12] =	ssyncset.done $0x0  }
0x20: {  	s24 =	simm.s32 @!p0 $0x3;
	[sflag:s12] =	ssyncadd.s32 $0xFFFFD900  }
0x21: {  	[spmem:s18], [sflag:s16] =	dma.local @!p0 [hbm:s7], $0x100  }
0x22: {  	_ =	swait.ge @!p0 [sflag:s24], $0x100  }
0x23: {  	[sflag:s24] =	ssyncset.done @!p0 $0x0  }
0x24: {  	[sflag:s24] =	ssyncadd.s32 @!p0 $0xFFFFFF00  }
0x25: {  	s28 =	simm.s32 $0x138D0;
	[bflag:$0x0] =	sbarrier.arrive $0xFFFF  }
0x26: {  	[tilespmem:s19], [sflag:$0x2] =	stream.indirect.gather [hbm4b:s0+s14], $0x80, s28, s14, $0xb8;
	[tilespmem:$0x1F000] =	vst v63  }
0x27: {  	_ =	swait.ge [sflag:s20], $0x2800  }
0x28: {  	[sflag:s20] =	ssyncset.done $0x0  }
0x29: {  	s29 =	simm.s32 $0x16000;
	[sflag:s20] =	ssyncadd.s32 $0xFFFFD800  }
0x2a: {  	[spmem:s2] =	stream.indirect.scatter.add.f32 [tilespmem:s15], [sflag:$0x3], $0x80, s29, s14, $0xb8;
	[tilespmem:$0x1F000] =	vst v63  }
0x2b: {  	_ =	swait.ge [sflag:s12], $0x2800  }
0x2c: {  	[sflag:s12] =	ssyncset.done $0x0  }
0x2d: {  	s30 =	simm.s32 $0x13920;
	[sflag:s12] =	ssyncadd.s32 $0xFFFFD800  }
0x2e: {  	[tilespmem:s15], [sflag:$0x1] =	stream.indirect.gather [hbm4b:s0+s14], $0x80, s30, s14, $0xb8;
	[tilespmem:$0x1F000] =	vst v63  }
0x2f: {  	_ =	swait.ge [sflag:s21], $0x2800  }
0x30: {  	[sflag:s21] =	ssyncset.done $0x0  }
0x31: {  	s31 =	simm.s32 $0x16080;
	[sflag:s21] =	ssyncadd.s32 $0xFFFFD800  }
0x32: {  	[spmem:s2] =	stream.indirect.scatter.add.f32 [tilespmem:s19], [sflag:$0x3], $0x80, s31, s14, $0xb8;
	[tilespmem:$0x1F000] =	vst v63  }
0x33: {  	s25 =	simm.s32 $0x400;
	_ =	swait.ge [sflag:s12], $0x2800  }
0x34: {  	s26 =	simm.s32 $0x800;
	s24 =	simm.s32 $0x139C0;
	[sflag:s12] =	ssyncset.done $0x0  }
.LBB2_2:
0x35: {  	p1 =	sne.s32 s26, $0xF400;
	s28 =	sadd.s32 $0xFFFFFFB0, s24;
	[sflag:s12] =	ssyncadd.s32 $0xFFFFD800  }
0x36: {  	[tilespmem:s19], [sflag:$0x2] =	stream.indirect.gather [hbm4b:s0+s14], $0x80, s28, s14, $0xb8;
	[tilespmem:$0x1F000] =	vst v63  }
0x37: {  	s28 =	smov.u32 s26;
	s26 =	sadd.s32 $0x400, s26;
	_ =	swait.ge [sflag:s20], $0x2800  }
0x38: {  	s29 =	sshra.s32 s25, $0x2;
	s25 =	smov.u32 s28;
	[sflag:s20] =	ssyncset.done $0x0  }
0x39: {  	s28 =	sadd.s32 $0x16000, s29;
	[sflag:s20] =	ssyncadd.s32 $0xFFFFD800  }
0x3a: {  	[spmem:s2] =	stream.indirect.scatter.add.f32 [tilespmem:s15], [sflag:$0x3], $0x80, s28, s14, $0xb8;
	[tilespmem:$0x1F000] =	vst v63  }
0x3b: {  	_ =	swait.ge [sflag:s12], $0x2800  }
0x3c: {  	[sflag:s12] =	ssyncset.done $0x0  }
0x3d: {  	[sflag:s12] =	ssyncadd.s32 $0xFFFFD800  }
0x3e: {  	[tilespmem:s15], [sflag:$0x1] =	stream.indirect.gather [hbm4b:s0+s14], $0x80, s24, s14, $0xb8;
	[tilespmem:$0x1F000] =	vst v63  }
0x3f: {  	_ =	swait.ge [sflag:s21], $0x2800  }
.Ltmp0:
0x40: {  	[sflag:s21] =	ssyncset.done $0x0;
	(pc) =	sbr.rel @p1 .LBB2_2-.Ltmp0, $4  }
0x41: {  	s28 =	sadd.s32 $0x16080, s29;
	[sflag:s21] =	ssyncadd.s32 $0xFFFFD800  }
0x42: {  	[spmem:s2] =	stream.indirect.scatter.add.f32 [tilespmem:s19], [sflag:$0x3], $0x80, s28, s14, $0xb8;
	[tilespmem:$0x1F000] =	vst v63  }
0x43: {  	_ =	swait.ge [sflag:s12], $0x2800  }
0x44: {  	s24 =	sadd.s32 $0xA0, s24;
	[sflag:s12] =	ssyncset.done $0x0  }
0x45: {  	s26 =	sadd.s32 $0xFFFFFFB0, s24;
	[sflag:s12] =	ssyncadd.s32 $0xFFFFD800  }
0x46: {  	[tilespmem:s19], [sflag:$0x2] =	stream.indirect.gather [hbm4b:s0+s14], $0x80, s26, s14, $0xb8;
	[tilespmem:$0x1F000] =	vst v63  }
0x47: {  	_ =	swait.ge [sflag:s20], $0x2800  }
0x48: {  	s25 =	sshra.s32 s25, $0x2;
	[sflag:s20] =	ssyncset.done $0x0  }
0x49: {  	s30 =	sadd.s32 $0x16000, s25;
	[sflag:s20] =	ssyncadd.s32 $0xFFFFD800  }
0x4a: {  	[spmem:s2] =	stream.indirect.scatter.add.f32 [tilespmem:s15], [sflag:$0x3], $0x80, s30, s14, $0xb8;
	[tilespmem:$0x1F000] =	vst v63  }
0x4b: {  	_ =	swait.ge [sflag:s12], $0x2800  }
0x4c: {  	[sflag:s12] =	ssyncset.done $0x0  }
0x4d: {  	[sflag:s12] =	ssyncadd.s32 $0xFFFFD800  }
0x4e: {  	[tilespmem:s15], [sflag:$0x1] =	stream.indirect.gather [hbm4b:s0+s14], $0x80, s24, s14, $0xb8;
	[tilespmem:$0x1F000] =	vst v63  }
0x4f: {  	_ =	swait.ge [sflag:s21], $0x2800  }
0x50: {  	[sflag:s21] =	ssyncset.done $0x0  }
0x51: {  	s31 =	sadd.s32 $0x16080, s25;
	[sflag:s21] =	ssyncadd.s32 $0xFFFFD800  }
0x52: {  	[spmem:s2] =	stream.indirect.scatter.add.f32 [tilespmem:s19], [sflag:$0x3], $0x80, s31, s14, $0xb8;
	[tilespmem:$0x1F000] =	vst v63  }
0x53: {  	_ =	swait.ge [sflag:s12], $0x2800  }
0x54: {  	[sflag:s12] =	ssyncset.done $0x0  }
0x55: {  	[sflag:s12] =	ssyncadd.s32 $0xFFFFD800  }
0x56: {  	_ =	swait.ge [sflag:s20], $0x2800  }
0x57: {  	[sflag:s20] =	ssyncset.done $0x0  }
0x58: {  	[sflag:s20] =	ssyncadd.s32 $0xFFFFD800  }
0x59: {  	[spmem:s2] =	stream.indirect.scatter.add.f32 [tilespmem:s15], [sflag:$0x3], $0x80, s22, s14, $0xb8;
	[tilespmem:$0x1F000] =	vst v63  }
0x5a: {  	_ =	swait.ge [sflag:s12], $0x2800  }
0x5b: {  	[sflag:s12] =	ssyncset.done $0x0  }
0x5c: {  	[sflag:s12] =	ssyncadd.s32 $0xFFFFD800  }
0x5d: {  	[bflag:$0x0] =	sbarrier.arrive $0xFFFF  }
0x5e: {  	[hbm:s8], [sflag:s16] =	dma.local [spmem:s17], $0x2700  }
0x5f: {  	s23 =	sadd.s32 $0x1, s23;
	_ =	swait.ge [sflag:s12], $0x2700  }
0x60: {  	p1 =	sne.s32 s23, s10;
	[sflag:s12] =	ssyncset.done $0x0  }
.Ltmp1:
0x61: {  	s24 =	simm.s32 @!p0 $0x3;
	[sflag:s12] =	ssyncadd.s32 $0xFFFFD900;
	(pc) =	sbr.rel @p1 .LBB2_1-.Ltmp1, $4  }
0x62: {  	[hbm:s9], [sflag:s16] =	dma.local @!p0 [spmem:s18], $0x100  }
0x63: {  	_ =	swait.ge @!p0 [sflag:s24], $0x100  }
0x64: {  	[sflag:s24] =	ssyncset.done @!p0 $0x0  }
0x65: {  	[sflag:s24] =	ssyncadd.s32 @!p0 $0xFFFFFF00  }
0x66: {  	_ =	sfence.sel $0x180000  }
0x67: {  	[bflag:$0x0] =	sbarrier.arrive $0xFFFF  }
0x68: {  	_ =	strace $0x9000004A  }
0x69: {  	s0 =	sadd.s32 @!p0 $0x100000, s1;
	[bflag:$0x2] =	sbarrier.arrive $0xFFFF  }
0x6a: {  	[sflag:s0] =	ssyncadd.tile.s32 @!p0 $0x1;
	_ =	shalt  }
.Lfunc_end2:
_tile_overlayer_lowered:
.L_overlay_start_2:
0x6b: {  	(tag) =	ssettag $0x2  }
0x6c: {  	s0 =	rddreg [dreg:$0x0];
	s2 =	stileid.u32  }
0x6d: {  	s1 =	rddreg [dreg:$0x1];
	p0 =	sne.s32 s2, $0x0  }
0x6e: {  	s3 =	rddreg [dreg:$0x2];
	[bflag:$0x3] =	sbarrier.arrive $0xFFFF;
	s2 =	simm.s32 @!p0 $0x1C03  }
0x6f: {  	[timem:s3], [sflag:s2] =	dma.local @!p0 [hbm:s0], s1  }
0x70: {  	s0 =	simm.s32 @!p0 $0x3  }
0x71: {  	_ =	swait.ge @!p0 [sflag:s0], s1  }
0x72: {  	s1 =	ssub.s32 @!p0 $0x0, s1;
	[sflag:s0] =	ssyncset.done @!p0 $0x0  }
0x73: {  	[sflag:s0] =	ssyncadd.s32 @!p0 s1  }
0x74: {  	[bflag:$0x3] =	sbarrier.arrive $0xFFFF  }
0x75: {  	_ =	shalt  }

</sc_bundles>
